<compile_context>
chip_gen: v7x
topology: tpu7x:2x2x1
jax: 0.10.2.dev20260603
libtpu: 0.0.44.dev20260713+nightly
codegen_flags: <defaults>
</compile_context>

<pallas_src>
import functools

import jax
import jax.numpy as jnp
from jax import lax
from jax.experimental import pallas as pl
from jax.experimental.pallas import tpu as pltpu
from jax.experimental.pallas import tpu_sc as plsc

B, L, D = 1024, 200, 32
N = B * L
NW = 32
ROWS_PER_W = B // NW
RCHUNK = 4
NCHUNK = ROWS_PER_W // RCHUNK
SPLITS = ((0, 104), (104, 96))

PACK = 4
NP = N // PACK
BT4 = 512


def _gather_body(idx1, idx2, idx3, t1, t2, t3, e1, e2, e3,
                 i1_v, i2_v, i3_v, r1_v, r2_v, r3_v, sem):
    cid = lax.axis_index("c")
    sid = lax.axis_index("s")
    wid = sid * 2 + cid
    base0 = wid * ROWS_PER_W

    def chunk(i, carry):
        base = base0 + i * RCHUNK
        pltpu.sync_copy(idx1.at[pl.ds(base, RCHUNK)], i1_v)
        pltpu.sync_copy(idx2.at[pl.ds(base, RCHUNK)], i2_v)
        pltpu.sync_copy(idx3.at[pl.ds(base, RCHUNK)], i3_v)
        copies = []
        for j in range(RCHUNK):
            for off, size in SPLITS:
                s = pl.ds(off, size)
                copies.append(
                    pltpu.async_copy(t1.at[i1_v.at[j, s]], r1_v.at[j, s], sem))
                copies.append(
                    pltpu.async_copy(t2.at[i2_v.at[j, s]], r2_v.at[j, s], sem))
                copies.append(
                    pltpu.async_copy(t3.at[i3_v.at[j, s]], r3_v.at[j, s], sem))
        for c in copies:
            c.wait()
        pltpu.sync_copy(r1_v, e1.at[pl.ds(base, RCHUNK)])
        pltpu.sync_copy(r2_v, e2.at[pl.ds(base, RCHUNK)])
        pltpu.sync_copy(r3_v, e3.at[pl.ds(base, RCHUNK)])
        return carry

    lax.fori_loop(0, NCHUNK, chunk, 0)


@functools.cache
def _make_gather():
    row_t = jax.ShapeDtypeStruct((B, L, D), jnp.float32)
    return pl.kernel(
        _gather_body,
        out_type=(row_t, row_t, row_t),
        mesh=plsc.VectorSubcoreMesh(core_axis_name="c", subcore_axis_name="s"),
        scratch_types=(
            pltpu.VMEM((RCHUNK, L), jnp.int32),
            pltpu.VMEM((RCHUNK, L), jnp.int32),
            pltpu.VMEM((RCHUNK, L), jnp.int32),
            pltpu.VMEM((RCHUNK, L, D), jnp.float32),
            pltpu.VMEM((RCHUNK, L, D), jnp.float32),
            pltpu.VMEM((RCHUNK, L, D), jnp.float32),
            pltpu.SemaphoreType.DMA,
        ),
        compiler_params=pltpu.CompilerParams(use_tc_tiling_on_sc=False),
    )


def _fuse_body(x1r, x2r, x3r, a1, a2, a3, g, b1t, w2r, b2, gam, bet, out):
    x1 = x1r[...]
    x2 = x2r[...]
    x3 = x3r[...]
    gm = g[...]
    h = jnp.dot(x1, a1[...], preferred_element_type=jnp.float32)
    h += jnp.dot(x2, a2[...], preferred_element_type=jnp.float32)
    h += jnp.dot(x3, a3[...], preferred_element_type=jnp.float32)
    h += b1t[...]
    h = 0.5 * h * (1.0 + lax.erf(h * (2.0 ** -0.5)))
    l0 = jnp.dot(h * w2r[0:1, :], gm, preferred_element_type=jnp.float32) + b2[0]
    l1 = jnp.dot(h * w2r[1:2, :], gm, preferred_element_type=jnp.float32) + b2[1]
    l2 = jnp.dot(h * w2r[2:3, :], gm, preferred_element_type=jnp.float32) + b2[2]
    m = jnp.maximum(jnp.maximum(l0, l1), l2)
    g0 = jnp.exp(l0 - m)
    g1 = jnp.exp(l1 - m)
    g2 = jnp.exp(l2 - m)
    inv = 1.0 / (g0 + g1 + g2)
    fused = (g0 * x1 + g1 * x2 + g2 * x3) * inv
    mean = jnp.dot(fused, gm, preferred_element_type=jnp.float32) * (1.0 / D)
    cen = fused - mean
    var = jnp.dot(cen * cen, gm, preferred_element_type=jnp.float32) * (1.0 / D)
    out[...] = cen * lax.rsqrt(var + 1e-5) * gam[...] + bet[...]


def kernel(ids_1gram, ids_2gram, ids_3gram, T1, T2, T3, W1, b1, W2, b2, gamma, beta):
    i1 = ids_1gram.astype(jnp.int32)
    i2 = jnp.pad(ids_2gram.astype(jnp.int32), ((0, 0), (0, 1)))
    i3 = jnp.pad(ids_3gram.astype(jnp.int32), ((0, 0), (0, 2)))

    e1, e2, e3 = _make_gather()(i1, i2, i3, T1, T2, T3)
    x1 = e1.reshape(NP, PACK * D)
    x2 = e2.reshape(NP, PACK * D)
    x3 = e3.reshape(NP, PACK * D)

    w1t = W1.T
    eye4 = jnp.eye(PACK, dtype=jnp.float32)
    a1 = jnp.kron(eye4, w1t[0:D, :])
    a2 = jnp.kron(eye4, w1t[D:2 * D, :])
    a3 = jnp.kron(eye4, w1t[2 * D:3 * D, :])
    g = jnp.kron(eye4, jnp.ones((D, D), dtype=jnp.float32))
    b1t = jnp.tile(b1, PACK).reshape(1, PACK * D)
    w2r = jnp.tile(W2, (1, PACK))
    gam = jnp.tile(gamma, PACK).reshape(1, PACK * D)
    bet = jnp.tile(beta, PACK).reshape(1, PACK * D)

    out = pl.pallas_call(
        _fuse_body,
        grid=(NP // BT4,),
        in_specs=[
            pl.BlockSpec((BT4, PACK * D), lambda i: (i, 0)),
            pl.BlockSpec((BT4, PACK * D), lambda i: (i, 0)),
            pl.BlockSpec((BT4, PACK * D), lambda i: (i, 0)),
            pl.BlockSpec((PACK * D, PACK * D), lambda i: (0, 0)),
            pl.BlockSpec((PACK * D, PACK * D), lambda i: (0, 0)),
            pl.BlockSpec((PACK * D, PACK * D), lambda i: (0, 0)),
            pl.BlockSpec((PACK * D, PACK * D), lambda i: (0, 0)),
            pl.BlockSpec((1, PACK * D), lambda i: (0, 0)),
            pl.BlockSpec((3, PACK * D), lambda i: (0, 0)),
            pl.BlockSpec(memory_space=pltpu.SMEM),
            pl.BlockSpec((1, PACK * D), lambda i: (0, 0)),
            pl.BlockSpec((1, PACK * D), lambda i: (0, 0)),
        ],
        out_specs=pl.BlockSpec((BT4, PACK * D), lambda i: (i, 0)),
        out_shape=jax.ShapeDtypeStruct((NP, PACK * D), jnp.float32),
    )(x1, x2, x3, a1, a2, a3, g, b1t, w2r, b2, gam, bet)
    return out.reshape(B, L, D)

# --- scband reference (transcript-rebuilt; emitter-appended) ---
"""Pipeline reference for scband-ngram-embedding-39015482916925 (READ-ONLY COPY).

The authoritative reference and input builder live on the scoring server;
editing this copy changes nothing except your own understanding.
"""

import jax, jax.numpy as jnp
import numpy as np

B, L, D = 1024, 200, 32
V1, V2, V3 = 100000, 1000000, 1000000


def _pad_to_length(x, length):
    if x.shape[1] >= length:
        return x[:, :length]
    pad = length - x.shape[1]
    return jnp.pad(x, ((0, 0), (0, pad), (0, 0)))


def setup_inputs(seed: int = 0) -> dict:
    key = jax.random.key(seed)
    ks = jax.random.split(key, 12)
    ids_1gram = jax.random.randint(ks[0], (B, L), 0, V1, dtype=jnp.int64) if jax.config.jax_enable_x64 else jax.random.randint(ks[0], (B, L), 0, V1)
    ids_2gram = jax.random.randint(ks[1], (B, L - 1), 0, V2)
    ids_3gram = jax.random.randint(ks[2], (B, L - 2), 0, V3)
    T1 = (jax.random.normal(ks[3], (V1, D), dtype=jnp.float32) * 0.02).at[0].set(0.0)
    T2 = (jax.random.normal(ks[4], (V2, D), dtype=jnp.float32) * 0.02).at[0].set(0.0)
    T3 = (jax.random.normal(ks[5], (V3, D), dtype=jnp.float32) * 0.02).at[0].set(0.0)
    W1 = jax.random.normal(ks[6], (D, 3 * D), dtype=jnp.float32) * 0.02
    b1 = jnp.zeros((D,), dtype=jnp.float32)
    W2 = jax.random.normal(ks[7], (3, D), dtype=jnp.float32) * 0.02
    b2 = jnp.zeros((3,), dtype=jnp.float32)
    gamma = jnp.ones((D,), dtype=jnp.float32)
    beta = jnp.zeros((D,), dtype=jnp.float32)
    return {"ids_1gram": ids_1gram, "ids_2gram": ids_2gram, "ids_3gram": ids_3gram,
            "T1": T1, "T2": T2, "T3": T3, "W1": W1, "b1": b1, "W2": W2, "b2": b2,
            "gamma": gamma, "beta": beta}


def reference(ids_1gram, ids_2gram, ids_3gram, T1, T2, T3, W1, b1, W2, b2, gamma, beta):
    e1 = jnp.take(T1, ids_1gram, axis=0)
    e2 = _pad_to_length(jnp.take(T2, ids_2gram, axis=0), e1.shape[1])
    e3 = _pad_to_length(jnp.take(T3, ids_3gram, axis=0), e1.shape[1])
    cat = jnp.concatenate([e1, e2, e3], axis=-1)
    h = jax.nn.gelu(cat @ W1.T + b1, approximate=False)
    gate_logits = h @ W2.T + b2
    gate = jax.nn.softmax(gate_logits, axis=-1)
    fused = gate[..., 0:1] * e1 + gate[..., 1:2] * e2 + gate[..., 2:3] * e3
    mean = jnp.mean(fused, axis=-1, keepdims=True)
    var = jnp.mean((fused - mean) ** 2, axis=-1, keepdims=True)
    out = (fused - mean) / jnp.sqrt(var + 1e-5) * gamma + beta
    # dropout is identity in eval mode
    return out

if __name__ == "__main__":
    import jax
    _d = setup_inputs()
    print(jax.jit(kernel)(*tuple(_d.values())))

</pallas_src>

<mosaic_0001>
#map = affine_map<(d0, d1) -> (0, 0)>
#map1 = affine_map<(d0, d1) -> (0, 0, 0)>
module attributes {stable_mosaic.version = 14 : i64} {
  func.func @_gather_body(%arg0: i32, %arg1: i32, %arg2: memref<1024x200xi32, #tpu.memory_space<hbm>>, %arg3: memref<1024x200xi32, #tpu.memory_space<hbm>>, %arg4: memref<1024x200xi32, #tpu.memory_space<hbm>>, %arg5: memref<100000x32xf32, #tpu.memory_space<hbm>>, %arg6: memref<1000000x32xf32, #tpu.memory_space<hbm>>, %arg7: memref<1000000x32xf32, #tpu.memory_space<hbm>>, %arg8: memref<1024x200x32xf32, #tpu.memory_space<hbm>>, %arg9: memref<1024x200x32xf32, #tpu.memory_space<hbm>>, %arg10: memref<1024x200x32xf32, #tpu.memory_space<hbm>>, %arg11: memref<4x200xi32, #tpu.memory_space<vmem>>, %arg12: memref<4x200xi32, #tpu.memory_space<vmem>>, %arg13: memref<4x200xi32, #tpu.memory_space<vmem>>, %arg14: memref<4x200x32xf32, #tpu.memory_space<vmem>>, %arg15: memref<4x200x32xf32, #tpu.memory_space<vmem>>, %arg16: memref<4x200x32xf32, #tpu.memory_space<vmem>>, %arg17: memref<!tpu.dma_semaphore, #tpu.memory_space<semaphore_mem>>) attributes {dimension_semantics = [#tpu.dimension_semantics<core_parallel>, #tpu.dimension_semantics<subcore_parallel>], iteration_bounds = array<i64: 2, 16>, scalar_prefetch = 0 : i64, scratch_operands = 7 : i64, tpu.core_type = #tpu.core_type<sc_vector_subcore>, window_params = [{transform_indices = #map}, {transform_indices = #map}, {transform_indices = #map}, {transform_indices = #map}, {transform_indices = #map}, {transform_indices = #map}, {transform_indices = #map1}, {transform_indices = #map1}, {transform_indices = #map1}]} {
    %mul3A = arith.constant 2 : i32
    %mul3A_0 = arith.muli %arg1, %mul3A : i32
    %add3A = arith.addi %mul3A_0, %arg0 : i32
    %mul3A_1 = arith.constant 32 : i32
    %mul3A_2 = arith.muli %add3A, %mul3A_1 : i32
    %scan3A = arith.constant 0 : i32
    %scan3A_3 = arith.constant 0 : i32
    %scan3A_4 = arith.constant 8 : i32
    %scan3A_5 = arith.addi %scan3A_3, %scan3A_4 : i32
    %scan3A_6 = arith.constant 1 : i32
    scf.for %scan3A_8 = %scan3A_3 to %scan3A_5 step %scan3A_6  : i32 {
      %mul3A_9 = arith.constant 4 : i32
      %mul3A_10 = arith.muli %scan3A_8, %mul3A_9 : i32
      %add3A_11 = arith.addi %mul3A_2, %mul3A_10 : i32
      "tpu.region"() ({
        %run_scoped3A = tpu.sem_alloc : memref<!tpu.dma_semaphore, #tpu.memory_space<semaphore_mem>>
        %dma_start3A_586 = arith.constant 0 : i32
        %dma_start3A_587 = tpu.memref_slice %arg2[%add3A_11, %dma_start3A_586] : memref<1024x200xi32, #tpu.memory_space<hbm>> -> memref<4x200xi32, #tpu.memory_space<hbm>>
        %dma_start3A_588 = arith.constant 0 : i32
        %dma_start3A_589 = tpu.memref_slice %arg2[%add3A_11, %dma_start3A_588] : memref<1024x200xi32, #tpu.memory_space<hbm>> -> memref<4x200xi32, #tpu.memory_space<hbm>>
        tpu.enqueue_dma source(%dma_start3A_589 : memref<4x200xi32, #tpu.memory_space<hbm>>) target(%arg11 : memref<4x200xi32, #tpu.memory_space<vmem>>) target_semaphore(%run_scoped3A : memref<!tpu.dma_semaphore, #tpu.memory_space<semaphore_mem>>)
        %dma_wait3A_590 = arith.constant 0 : i32
        %dma_wait3A_591 = tpu.memref_slice %arg2[%add3A_11, %dma_wait3A_590] : memref<1024x200xi32, #tpu.memory_space<hbm>> -> memref<4x200xi32, #tpu.memory_space<hbm>>
        %dma_wait3A_592 = arith.constant 0 : i32
        %dma_wait3A_593 = tpu.memref_slice %arg2[%add3A_11, %dma_wait3A_592] : memref<1024x200xi32, #tpu.memory_space<hbm>> -> memref<4x200xi32, #tpu.memory_space<hbm>>
        tpu.wait_dma2 semaphore(%run_scoped3A : memref<!tpu.dma_semaphore, #tpu.memory_space<semaphore_mem>>) src(%dma_wait3A_593 : memref<4x200xi32, #tpu.memory_space<hbm>>) dst(%arg11 : memref<4x200xi32, #tpu.memory_space<vmem>>)
        tpu.yield
      }) : () -> ()
      "tpu.region"() ({
        %run_scoped3A = tpu.sem_alloc : memref<!tpu.dma_semaphore, #tpu.memory_space<semaphore_mem>>
        %dma_start3A_586 = arith.constant 0 : i32
        %dma_start3A_587 = tpu.memref_slice %arg3[%add3A_11, %dma_start3A_586] : memref<1024x200xi32, #tpu.memory_space<hbm>> -> memref<4x200xi32, #tpu.memory_space<hbm>>
        %dma_start3A_588 = arith.constant 0 : i32
        %dma_start3A_589 = tpu.memref_slice %arg3[%add3A_11, %dma_start3A_588] : memref<1024x200xi32, #tpu.memory_space<hbm>> -> memref<4x200xi32, #tpu.memory_space<hbm>>
        tpu.enqueue_dma source(%dma_start3A_589 : memref<4x200xi32, #tpu.memory_space<hbm>>) target(%arg12 : memref<4x200xi32, #tpu.memory_space<vmem>>) target_semaphore(%run_scoped3A : memref<!tpu.dma_semaphore, #tpu.memory_space<semaphore_mem>>)
        %dma_wait3A_590 = arith.constant 0 : i32
        %dma_wait3A_591 = tpu.memref_slice %arg3[%add3A_11, %dma_wait3A_590] : memref<1024x200xi32, #tpu.memory_space<hbm>> -> memref<4x200xi32, #tpu.memory_space<hbm>>
        %dma_wait3A_592 = arith.constant 0 : i32
        %dma_wait3A_593 = tpu.memref_slice %arg3[%add3A_11, %dma_wait3A_592] : memref<1024x200xi32, #tpu.memory_space<hbm>> -> memref<4x200xi32, #tpu.memory_space<hbm>>
        tpu.wait_dma2 semaphore(%run_scoped3A : memref<!tpu.dma_semaphore, #tpu.memory_space<semaphore_mem>>) src(%dma_wait3A_593 : memref<4x200xi32, #tpu.memory_space<hbm>>) dst(%arg12 : memref<4x200xi32, #tpu.memory_space<vmem>>)
        tpu.yield
      }) : () -> ()
      "tpu.region"() ({
        %run_scoped3A = tpu.sem_alloc : memref<!tpu.dma_semaphore, #tpu.memory_space<semaphore_mem>>
        %dma_start3A_586 = arith.constant 0 : i32
        %dma_start3A_587 = tpu.memref_slice %arg4[%add3A_11, %dma_start3A_586] : memref<1024x200xi32, #tpu.memory_space<hbm>> -> memref<4x200xi32, #tpu.memory_space<hbm>>
        %dma_start3A_588 = arith.constant 0 : i32
        %dma_start3A_589 = tpu.memref_slice %arg4[%add3A_11, %dma_start3A_588] : memref<1024x200xi32, #tpu.memory_space<hbm>> -> memref<4x200xi32, #tpu.memory_space<hbm>>
        tpu.enqueue_dma source(%dma_start3A_589 : memref<4x200xi32, #tpu.memory_space<hbm>>) target(%arg13 : memref<4x200xi32, #tpu.memory_space<vmem>>) target_semaphore(%run_scoped3A : memref<!tpu.dma_semaphore, #tpu.memory_space<semaphore_mem>>)
        %dma_wait3A_590 = arith.constant 0 : i32
        %dma_wait3A_591 = tpu.memref_slice %arg4[%add3A_11, %dma_wait3A_590] : memref<1024x200xi32, #tpu.memory_space<hbm>> -> memref<4x200xi32, #tpu.memory_space<hbm>>
        %dma_wait3A_592 = arith.constant 0 : i32
        %dma_wait3A_593 = tpu.memref_slice %arg4[%add3A_11, %dma_wait3A_592] : memref<1024x200xi32, #tpu.memory_space<hbm>> -> memref<4x200xi32, #tpu.memory_space<hbm>>
        tpu.wait_dma2 semaphore(%run_scoped3A : memref<!tpu.dma_semaphore, #tpu.memory_space<semaphore_mem>>) src(%dma_wait3A_593 : memref<4x200xi32, #tpu.memory_space<hbm>>) dst(%arg13 : memref<4x200xi32, #tpu.memory_space<vmem>>)
        tpu.yield
      }) : () -> ()
      %dma_start3A = arith.constant 0 : i32
      %dma_start3A_12 = arith.constant 0 : i32
      %dma_start3A_13 = arith.constant 0 : i32
      %dma_start3A_14 = arith.constant 0 : i32
      %dma_start3A_15 = tpu.memref_slice %arg14[%dma_start3A_12, %dma_start3A_13, %dma_start3A_14] : memref<4x200x32xf32, #tpu.memory_space<vmem>> -> memref<1x104x32xf32, #tpu.memory_space<vmem>>
      %dma_start3A_16 = tpu.memref_squeeze %dma_start3A_15 : memref<1x104x32xf32, #tpu.memory_space<vmem>> -> memref<104x32xf32, #tpu.memory_space<vmem>>
      %dma_start3A_17 = arith.constant 0 : i32
      %dma_start3A_18 = tpu.memref_slice %arg11[%dma_start3A, %dma_start3A_17] : memref<4x200xi32, #tpu.memory_space<vmem>> -> memref<1x104xi32, #tpu.memory_space<vmem>>
      %dma_start3A_19 = tpu.memref_squeeze %dma_start3A_18 : memref<1x104xi32, #tpu.memory_space<vmem>> -> memref<104xi32, #tpu.memory_space<vmem>>
      %dma_start3A_20 = arith.constant 0 : i32
      %dma_start3A_21 = arith.constant 0 : i32
      %dma_start3A_22 = tpu.memref_slice %arg5[%dma_start3A_20, %dma_start3A_21] : memref<100000x32xf32, #tpu.memory_space<hbm>> -> memref<100000x32xf32, #tpu.memory_space<hbm>>
      tpu.enqueue_indirect_dma source(%dma_start3A_22 : memref<100000x32xf32, #tpu.memory_space<hbm>>) target(%dma_start3A_16 : memref<104x32xf32, #tpu.memory_space<vmem>>) offsets(%dma_start3A_19 : memref<104xi32, #tpu.memory_space<vmem>>) semaphore(%arg17 : memref<!tpu.dma_semaphore, #tpu.memory_space<semaphore_mem>>)
      %dma_start3A_23 = arith.constant 0 : i32
      %dma_start3A_24 = arith.constant 0 : i32
      %dma_start3A_25 = arith.constant 0 : i32
      %dma_start3A_26 = arith.constant 0 : i32
      %dma_start3A_27 = tpu.memref_slice %arg15[%dma_start3A_24, %dma_start3A_25, %dma_start3A_26] : memref<4x200x32xf32, #tpu.memory_space<vmem>> -> memref<1x104x32xf32, #tpu.memory_space<vmem>>
      %dma_start3A_28 = tpu.memref_squeeze %dma_start3A_27 : memref<1x104x32xf32, #tpu.memory_space<vmem>> -> memref<104x32xf32, #tpu.memory_space<vmem>>
      %dma_start3A_29 = arith.constant 0 : i32
      %dma_start3A_30 = tpu.memref_slice %arg12[%dma_start3A_23, %dma_start3A_29] : memref<4x200xi32, #tpu.memory_space<vmem>> -> memref<1x104xi32, #tpu.memory_space<vmem>>
      %dma_start3A_31 = tpu.memref_squeeze %dma_start3A_30 : memref<1x104xi32, #tpu.memory_space<vmem>> -> memref<104xi32, #tpu.memory_space<vmem>>
      %dma_start3A_32 = arith.constant 0 : i32
      %dma_start3A_33 = arith.constant 0 : i32
      %dma_start3A_34 = tpu.memref_slice %arg6[%dma_start3A_32, %dma_start3A_33] : memref<1000000x32xf32, #tpu.memory_space<hbm>> -> memref<1000000x32xf32, #tpu.memory_space<hbm>>
      tpu.enqueue_indirect_dma source(%dma_start3A_34 : memref<1000000x32xf32, #tpu.memory_space<hbm>>) target(%dma_start3A_28 : memref<104x32xf32, #tpu.memory_space<vmem>>) offsets(%dma_start3A_31 : memref<104xi32, #tpu.memory_space<vmem>>) semaphore(%arg17 : memref<!tpu.dma_semaphore, #tpu.memory_space<semaphore_mem>>)
      %dma_start3A_35 = arith.constant 0 : i32
      %dma_start3A_36 = arith.constant 0 : i32
      %dma_start3A_37 = arith.constant 0 : i32
      %dma_start3A_38 = arith.constant 0 : i32
      %dma_start3A_39 = tpu.memref_slice %arg16[%dma_start3A_36, %dma_start3A_37, %dma_start3A_38] : memref<4x200x32xf32, #tpu.memory_space<vmem>> -> memref<1x104x32xf32, #tpu.memory_space<vmem>>
      %dma_start3A_40 = tpu.memref_squeeze %dma_start3A_39 : memref<1x104x32xf32, #tpu.memory_space<vmem>> -> memref<104x32xf32, #tpu.memory_space<vmem>>
      %dma_start3A_41 = arith.constant 0 : i32
      %dma_start3A_42 = tpu.memref_slice %arg13[%dma_start3A_35, %dma_start3A_41] : memref<4x200xi32, #tpu.memory_space<vmem>> -> memref<1x104xi32, #tpu.memory_space<vmem>>
      %dma_start3A_43 = tpu.memref_squeeze %dma_start3A_42 : memref<1x104xi32, #tpu.memory_space<vmem>> -> memref<104xi32, #tpu.memory_space<vmem>>
      %dma_start3A_44 = arith.constant 0 : i32
      %dma_start3A_45 = arith.constant 0 : i32
      %dma_start3A_46 = tpu.memref_slice %arg7[%dma_start3A_44, %dma_start3A_45] : memref<1000000x32xf32, #tpu.memory_space<hbm>> -> memref<1000000x32xf32, #tpu.memory_space<hbm>>
      tpu.enqueue_indirect_dma source(%dma_start3A_46 : memref<1000000x32xf32, #tpu.memory_space<hbm>>) target(%dma_start3A_40 : memref<104x32xf32, #tpu.memory_space<vmem>>) offsets(%dma_start3A_43 : memref<104xi32, #tpu.memory_space<vmem>>) semaphore(%arg17 : memref<!tpu.dma_semaphore, #tpu.memory_space<semaphore_mem>>)
      %dma_start3A_47 = arith.constant 0 : i32
      %dma_start3A_48 = arith.constant 0 : i32
      %dma_start3A_49 = arith.constant 104 : i32
      %dma_start3A_50 = arith.constant 0 : i32
      %dma_start3A_51 = tpu.memref_slice %arg14[%dma_start3A_48, %dma_start3A_49, %dma_start3A_50] : memref<4x200x32xf32, #tpu.memory_space<vmem>> -> memref<1x96x32xf32, #tpu.memory_space<vmem>>
      %dma_start3A_52 = tpu.memref_squeeze %dma_start3A_51 : memref<1x96x32xf32, #tpu.memory_space<vmem>> -> memref<96x32xf32, #tpu.memory_space<vmem>>
      %dma_start3A_53 = arith.constant 104 : i32
      %dma_start3A_54 = tpu.memref_slice %arg11[%dma_start3A_47, %dma_start3A_53] : memref<4x200xi32, #tpu.memory_space<vmem>> -> memref<1x96xi32, #tpu.memory_space<vmem>>
      %dma_start3A_55 = tpu.memref_squeeze %dma_start3A_54 : memref<1x96xi32, #tpu.memory_space<vmem>> -> memref<96xi32, #tpu.memory_space<vmem>>
      %dma_start3A_56 = arith.constant 0 : i32
      %dma_start3A_57 = arith.constant 0 : i32
      %dma_start3A_58 = tpu.memref_slice %arg5[%dma_start3A_56, %dma_start3A_57] : memref<100000x32xf32, #tpu.memory_space<hbm>> -> memref<100000x32xf32, #tpu.memory_space<hbm>>
      tpu.enqueue_indirect_dma source(%dma_start3A_58 : memref<100000x32xf32, #tpu.memory_space<hbm>>) target(%dma_start3A_52 : memref<96x32xf32, #tpu.memory_space<vmem>>) offsets(%dma_start3A_55 : memref<96xi32, #tpu.memory_space<vmem>>) semaphore(%arg17 : memref<!tpu.dma_semaphore, #tpu.memory_space<semaphore_mem>>)
      %dma_start3A_59 = arith.constant 0 : i32
      %dma_start3A_60 = arith.constant 0 : i32
      %dma_start3A_61 = arith.constant 104 : i32
      %dma_start3A_62 = arith.constant 0 : i32
      %dma_start3A_63 = tpu.memref_slice %arg15[%dma_start3A_60, %dma_start3A_61, %dma_start3A_62] : memref<4x200x32xf32, #tpu.memory_space<vmem>> -> memref<1x96x32xf32, #tpu.memory_space<vmem>>
      %dma_start3A_64 = tpu.memref_squeeze %dma_start3A_63 : memref<1x96x32xf32, #tpu.memory_space<vmem>> -> memref<96x32xf32, #tpu.memory_space<vmem>>
      %dma_start3A_65 = arith.constant 104 : i32
      %dma_start3A_66 = tpu.memref_slice %arg12[%dma_start3A_59, %dma_start3A_65] : memref<4x200xi32, #tpu.memory_space<vmem>> -> memref<1x96xi32, #tpu.memory_space<vmem>>
      %dma_start3A_67 = tpu.memref_squeeze %dma_start3A_66 : memref<1x96xi32, #tpu.memory_space<vmem>> -> memref<96xi32, #tpu.memory_space<vmem>>
      %dma_start3A_68 = arith.constant 0 : i32
      %dma_start3A_69 = arith.constant 0 : i32
      %dma_start3A_70 = tpu.memref_slice %arg6[%dma_start3A_68, %dma_start3A_69] : memref<1000000x32xf32, #tpu.memory_space<hbm>> -> memref<1000000x32xf32, #tpu.memory_space<hbm>>
      tpu.enqueue_indirect_dma source(%dma_start3A_70 : memref<1000000x32xf32, #tpu.memory_space<hbm>>) target(%dma_start3A_64 : memref<96x32xf32, #tpu.memory_space<vmem>>) offsets(%dma_start3A_67 : memref<96xi32, #tpu.memory_space<vmem>>) semaphore(%arg17 : memref<!tpu.dma_semaphore, #tpu.memory_space<semaphore_mem>>)
      %dma_start3A_71 = arith.constant 0 : i32
      %dma_start3A_72 = arith.constant 0 : i32
      %dma_start3A_73 = arith.constant 104 : i32
      %dma_start3A_74 = arith.constant 0 : i32
      %dma_start3A_75 = tpu.memref_slice %arg16[%dma_start3A_72, %dma_start3A_73, %dma_start3A_74] : memref<4x200x32xf32, #tpu.memory_space<vmem>> -> memref<1x96x32xf32, #tpu.memory_space<vmem>>
      %dma_start3A_76 = tpu.memref_squeeze %dma_start3A_75 : memref<1x96x32xf32, #tpu.memory_space<vmem>> -> memref<96x32xf32, #tpu.memory_space<vmem>>
      %dma_start3A_77 = arith.constant 104 : i32
      %dma_start3A_78 = tpu.memref_slice %arg13[%dma_start3A_71, %dma_start3A_77] : memref<4x200xi32, #tpu.memory_space<vmem>> -> memref<1x96xi32, #tpu.memory_space<vmem>>
      %dma_start3A_79 = tpu.memref_squeeze %dma_start3A_78 : memref<1x96xi32, #tpu.memory_space<vmem>> -> memref<96xi32, #tpu.memory_space<vmem>>
      %dma_start3A_80 = arith.constant 0 : i32
      %dma_start3A_81 = arith.constant 0 : i32
      %dma_start3A_82 = tpu.memref_slice %arg7[%dma_start3A_80, %dma_start3A_81] : memref<1000000x32xf32, #tpu.memory_space<hbm>> -> memref<1000000x32xf32, #tpu.memory_space<hbm>>
      tpu.enqueue_indirect_dma source(%dma_start3A_82 : memref<1000000x32xf32, #tpu.memory_space<hbm>>) target(%dma_start3A_76 : memref<96x32xf32, #tpu.memory_space<vmem>>) offsets(%dma_start3A_79 : memref<96xi32, #tpu.memory_space<vmem>>) semaphore(%arg17 : memref<!tpu.dma_semaphore, #tpu.memory_space<semaphore_mem>>)
      %dma_start3A_83 = arith.constant 1 : i32
      %dma_start3A_84 = arith.constant 1 : i32
      %dma_start3A_85 = arith.constant 0 : i32
      %dma_start3A_86 = arith.constant 0 : i32
      %dma_start3A_87 = tpu.memref_slice %arg14[%dma_start3A_84, %dma_start3A_85, %dma_start3A_86] : memref<4x200x32xf32, #tpu.memory_space<vmem>> -> memref<1x104x32xf32, #tpu.memory_space<vmem>>
      %dma_start3A_88 = tpu.memref_squeeze %dma_start3A_87 : memref<1x104x32xf32, #tpu.memory_space<vmem>> -> memref<104x32xf32, #tpu.memory_space<vmem>>
      %dma_start3A_89 = arith.constant 0 : i32
      %dma_start3A_90 = tpu.memref_slice %arg11[%dma_start3A_83, %dma_start3A_89] : memref<4x200xi32, #tpu.memory_space<vmem>> -> memref<1x104xi32, #tpu.memory_space<vmem>>
      %dma_start3A_91 = tpu.memref_squeeze %dma_start3A_90 : memref<1x104xi32, #tpu.memory_space<vmem>> -> memref<104xi32, #tpu.memory_space<vmem>>
      %dma_start3A_92 = arith.constant 0 : i32
      %dma_start3A_93 = arith.constant 0 : i32
      %dma_start3A_94 = tpu.memref_slice %arg5[%dma_start3A_92, %dma_start3A_93] : memref<100000x32xf32, #tpu.memory_space<hbm>> -> memref<100000x32xf32, #tpu.memory_space<hbm>>
      tpu.enqueue_indirect_dma source(%dma_start3A_94 : memref<100000x32xf32, #tpu.memory_space<hbm>>) target(%dma_start3A_88 : memref<104x32xf32, #tpu.memory_space<vmem>>) offsets(%dma_start3A_91 : memref<104xi32, #tpu.memory_space<vmem>>) semaphore(%arg17 : memref<!tpu.dma_semaphore, #tpu.memory_space<semaphore_mem>>)
      %dma_start3A_95 = arith.constant 1 : i32
      %dma_start3A_96 = arith.constant 1 : i32
      %dma_start3A_97 = arith.constant 0 : i32
      %dma_start3A_98 = arith.constant 0 : i32
      %dma_start3A_99 = tpu.memref_slice %arg15[%dma_start3A_96, %dma_start3A_97, %dma_start3A_98] : memref<4x200x32xf32, #tpu.memory_space<vmem>> -> memref<1x104x32xf32, #tpu.memory_space<vmem>>
      %dma_start3A_100 = tpu.memref_squeeze %dma_start3A_99 : memref<1x104x32xf32, #tpu.memory_space<vmem>> -> memref<104x32xf32, #tpu.memory_space<vmem>>
      %dma_start3A_101 = arith.constant 0 : i32
      %dma_start3A_102 = tpu.memref_slice %arg12[%dma_start3A_95, %dma_start3A_101] : memref<4x200xi32, #tpu.memory_space<vmem>> -> memref<1x104xi32, #tpu.memory_space<vmem>>
      %dma_start3A_103 = tpu.memref_squeeze %dma_start3A_102 : memref<1x104xi32, #tpu.memory_space<vmem>> -> memref<104xi32, #tpu.memory_space<vmem>>
      %dma_start3A_104 = arith.constant 0 : i32
      %dma_start3A_105 = arith.constant 0 : i32
      %dma_start3A_106 = tpu.memref_slice %arg6[%dma_start3A_104, %dma_start3A_105] : memref<1000000x32xf32, #tpu.memory_space<hbm>> -> memref<1000000x32xf32, #tpu.memory_space<hbm>>
      tpu.enqueue_indirect_dma source(%dma_start3A_106 : memref<1000000x32xf32, #tpu.memory_space<hbm>>) target(%dma_start3A_100 : memref<104x32xf32, #tpu.memory_space<vmem>>) offsets(%dma_start3A_103 : memref<104xi32, #tpu.memory_space<vmem>>) semaphore(%arg17 : memref<!tpu.dma_semaphore, #tpu.memory_space<semaphore_mem>>)
      %dma_start3A_107 = arith.constant 1 : i32
      %dma_start3A_108 = arith.constant 1 : i32
      %dma_start3A_109 = arith.constant 0 : i32
      %dma_start3A_110 = arith.constant 0 : i32
      %dma_start3A_111 = tpu.memref_slice %arg16[%dma_start3A_108, %dma_start3A_109, %dma_start3A_110] : memref<4x200x32xf32, #tpu.memory_space<vmem>> -> memref<1x104x32xf32, #tpu.memory_space<vmem>>
      %dma_start3A_112 = tpu.memref_squeeze %dma_start3A_111 : memref<1x104x32xf32, #tpu.memory_space<vmem>> -> memref<104x32xf32, #tpu.memory_space<vmem>>
      %dma_start3A_113 = arith.constant 0 : i32
      %dma_start3A_114 = tpu.memref_slice %arg13[%dma_start3A_107, %dma_start3A_113] : memref<4x200xi32, #tpu.memory_space<vmem>> -> memref<1x104xi32, #tpu.memory_space<vmem>>
      %dma_start3A_115 = tpu.memref_squeeze %dma_start3A_114 : memref<1x104xi32, #tpu.memory_space<vmem>> -> memref<104xi32, #tpu.memory_space<vmem>>
      %dma_start3A_116 = arith.constant 0 : i32
      %dma_start3A_117 = arith.constant 0 : i32
      %dma_start3A_118 = tpu.memref_slice %arg7[%dma_start3A_116, %dma_start3A_117] : memref<1000000x32xf32, #tpu.memory_space<hbm>> -> memref<1000000x32xf32, #tpu.memory_space<hbm>>
      tpu.enqueue_indirect_dma source(%dma_start3A_118 : memref<1000000x32xf32, #tpu.memory_space<hbm>>) target(%dma_start3A_112 : memref<104x32xf32, #tpu.memory_space<vmem>>) offsets(%dma_start3A_115 : memref<104xi32, #tpu.memory_space<vmem>>) semaphore(%arg17 : memref<!tpu.dma_semaphore, #tpu.memory_space<semaphore_mem>>)
      %dma_start3A_119 = arith.constant 1 : i32
      %dma_start3A_120 = arith.constant 1 : i32
      %dma_start3A_121 = arith.constant 104 : i32
      %dma_start3A_122 = arith.constant 0 : i32
      %dma_start3A_123 = tpu.memref_slice %arg14[%dma_start3A_120, %dma_start3A_121, %dma_start3A_122] : memref<4x200x32xf32, #tpu.memory_space<vmem>> -> memref<1x96x32xf32, #tpu.memory_space<vmem>>
      %dma_start3A_124 = tpu.memref_squeeze %dma_start3A_123 : memref<1x96x32xf32, #tpu.memory_space<vmem>> -> memref<96x32xf32, #tpu.memory_space<vmem>>
      %dma_start3A_125 = arith.constant 104 : i32
      %dma_start3A_126 = tpu.memref_slice %arg11[%dma_start3A_119, %dma_start3A_125] : memref<4x200xi32, #tpu.memory_space<vmem>> -> memref<1x96xi32, #tpu.memory_space<vmem>>
      %dma_start3A_127 = tpu.memref_squeeze %dma_start3A_126 : memref<1x96xi32, #tpu.memory_space<vmem>> -> memref<96xi32, #tpu.memory_space<vmem>>
      %dma_start3A_128 = arith.constant 0 : i32
      %dma_start3A_129 = arith.constant 0 : i32
      %dma_start3A_130 = tpu.memref_slice %arg5[%dma_start3A_128, %dma_start3A_129] : memref<100000x32xf32, #tpu.memory_space<hbm>> -> memref<100000x32xf32, #tpu.memory_space<hbm>>
      tpu.enqueue_indirect_dma source(%dma_start3A_130 : memref<100000x32xf32, #tpu.memory_space<hbm>>) target(%dma_start3A_124 : memref<96x32xf32, #tpu.memory_space<vmem>>) offsets(%dma_start3A_127 : memref<96xi32, #tpu.memory_space<vmem>>) semaphore(%arg17 : memref<!tpu.dma_semaphore, #tpu.memory_space<semaphore_mem>>)
      %dma_start3A_131 = arith.constant 1 : i32
      %dma_start3A_132 = arith.constant 1 : i32
      %dma_start3A_133 = arith.constant 104 : i32
      %dma_start3A_134 = arith.constant 0 : i32
      %dma_start3A_135 = tpu.memref_slice %arg15[%dma_start3A_132, %dma_start3A_133, %dma_start3A_134] : memref<4x200x32xf32, #tpu.memory_space<vmem>> -> memref<1x96x32xf32, #tpu.memory_space<vmem>>
      %dma_start3A_136 = tpu.memref_squeeze %dma_start3A_135 : memref<1x96x32xf32, #tpu.memory_space<vmem>> -> memref<96x32xf32, #tpu.memory_space<vmem>>
      %dma_start3A_137 = arith.constant 104 : i32
      %dma_start3A_138 = tpu.memref_slice %arg12[%dma_start3A_131, %dma_start3A_137] : memref<4x200xi32, #tpu.memory_space<vmem>> -> memref<1x96xi32, #tpu.memory_space<vmem>>
      %dma_start3A_139 = tpu.memref_squeeze %dma_start3A_138 : memref<1x96xi32, #tpu.memory_space<vmem>> -> memref<96xi32, #tpu.memory_space<vmem>>
      %dma_start3A_140 = arith.constant 0 : i32
      %dma_start3A_141 = arith.constant 0 : i32
      %dma_start3A_142 = tpu.memref_slice %arg6[%dma_start3A_140, %dma_start3A_141] : memref<1000000x32xf32, #tpu.memory_space<hbm>> -> memref<1000000x32xf32, #tpu.memory_space<hbm>>
      tpu.enqueue_indirect_dma source(%dma_start3A_142 : memref<1000000x32xf32, #tpu.memory_space<hbm>>) target(%dma_start3A_136 : memref<96x32xf32, #tpu.memory_space<vmem>>) offsets(%dma_start3A_139 : memref<96xi32, #tpu.memory_space<vmem>>) semaphore(%arg17 : memref<!tpu.dma_semaphore, #tpu.memory_space<semaphore_mem>>)
      %dma_start3A_143 = arith.constant 1 : i32
      %dma_start3A_144 = arith.constant 1 : i32
      %dma_start3A_145 = arith.constant 104 : i32
      %dma_start3A_146 = arith.constant 0 : i32
      %dma_start3A_147 = tpu.memref_slice %arg16[%dma_start3A_144, %dma_start3A_145, %dma_start3A_146] : memref<4x200x32xf32, #tpu.memory_space<vmem>> -> memref<1x96x32xf32, #tpu.memory_space<vmem>>
      %dma_start3A_148 = tpu.memref_squeeze %dma_start3A_147 : memref<1x96x32xf32, #tpu.memory_space<vmem>> -> memref<96x32xf32, #tpu.memory_space<vmem>>
      %dma_start3A_149 = arith.constant 104 : i32
      %dma_start3A_150 = tpu.memref_slice %arg13[%dma_start3A_143, %dma_start3A_149] : memref<4x200xi32, #tpu.memory_space<vmem>> -> memref<1x96xi32, #tpu.memory_space<vmem>>
      %dma_start3A_151 = tpu.memref_squeeze %dma_start3A_150 : memref<1x96xi32, #tpu.memory_space<vmem>> -> memref<96xi32, #tpu.memory_space<vmem>>
      %dma_start3A_152 = arith.constant 0 : i32
      %dma_start3A_153 = arith.constant 0 : i32
      %dma_start3A_154 = tpu.memref_slice %arg7[%dma_start3A_152, %dma_start3A_153] : memref<1000000x32xf32, #tpu.memory_space<hbm>> -> memref<1000000x32xf32, #tpu.memory_space<hbm>>
      tpu.enqueue_indirect_dma source(%dma_start3A_154 : memref<1000000x32xf32, #tpu.memory_space<hbm>>) target(%dma_start3A_148 : memref<96x32xf32, #tpu.memory_space<vmem>>) offsets(%dma_start3A_151 : memref<96xi32, #tpu.memory_space<vmem>>) semaphore(%arg17 : memref<!tpu.dma_semaphore, #tpu.memory_space<semaphore_mem>>)
      %dma_start3A_155 = arith.constant 2 : i32
      %dma_start3A_156 = arith.constant 2 : i32
      %dma_start3A_157 = arith.constant 0 : i32
      %dma_start3A_158 = arith.constant 0 : i32
      %dma_start3A_159 = tpu.memref_slice %arg14[%dma_start3A_156, %dma_start3A_157, %dma_start3A_158] : memref<4x200x32xf32, #tpu.memory_space<vmem>> -> memref<1x104x32xf32, #tpu.memory_space<vmem>>
      %dma_start3A_160 = tpu.memref_squeeze %dma_start3A_159 : memref<1x104x32xf32, #tpu.memory_space<vmem>> -> memref<104x32xf32, #tpu.memory_space<vmem>>
      %dma_start3A_161 = arith.constant 0 : i32
      %dma_start3A_162 = tpu.memref_slice %arg11[%dma_start3A_155, %dma_start3A_161] : memref<4x200xi32, #tpu.memory_space<vmem>> -> memref<1x104xi32, #tpu.memory_space<vmem>>
      %dma_start3A_163 = tpu.memref_squeeze %dma_start3A_162 : memref<1x104xi32, #tpu.memory_space<vmem>> -> memref<104xi32, #tpu.memory_space<vmem>>
      %dma_start3A_164 = arith.constant 0 : i32
      %dma_start3A_165 = arith.constant 0 : i32
      %dma_start3A_166 = tpu.memref_slice %arg5[%dma_start3A_164, %dma_start3A_165] : memref<100000x32xf32, #tpu.memory_space<hbm>> -> memref<100000x32xf32, #tpu.memory_space<hbm>>
      tpu.enqueue_indirect_dma source(%dma_start3A_166 : memref<100000x32xf32, #tpu.memory_space<hbm>>) target(%dma_start3A_160 : memref<104x32xf32, #tpu.memory_space<vmem>>) offsets(%dma_start3A_163 : memref<104xi32, #tpu.memory_space<vmem>>) semaphore(%arg17 : memref<!tpu.dma_semaphore, #tpu.memory_space<semaphore_mem>>)
      %dma_start3A_167 = arith.constant 2 : i32
      %dma_start3A_168 = arith.constant 2 : i32
      %dma_start3A_169 = arith.constant 0 : i32
      %dma_start3A_170 = arith.constant 0 : i32
      %dma_start3A_171 = tpu.memref_slice %arg15[%dma_start3A_168, %dma_start3A_169, %dma_start3A_170] : memref<4x200x32xf32, #tpu.memory_space<vmem>> -> memref<1x104x32xf32, #tpu.memory_space<vmem>>
      %dma_start3A_172 = tpu.memref_squeeze %dma_start3A_171 : memref<1x104x32xf32, #tpu.memory_space<vmem>> -> memref<104x32xf32, #tpu.memory_space<vmem>>
      %dma_start3A_173 = arith.constant 0 : i32
      %dma_start3A_174 = tpu.memref_slice %arg12[%dma_start3A_167, %dma_start3A_173] : memref<4x200xi32, #tpu.memory_space<vmem>> -> memref<1x104xi32, #tpu.memory_space<vmem>>
      %dma_start3A_175 = tpu.memref_squeeze %dma_start3A_174 : memref<1x104xi32, #tpu.memory_space<vmem>> -> memref<104xi32, #tpu.memory_space<vmem>>
      %dma_start3A_176 = arith.constant 0 : i32
      %dma_start3A_177 = arith.constant 0 : i32
      %dma_start3A_178 = tpu.memref_slice %arg6[%dma_start3A_176, %dma_start3A_177] : memref<1000000x32xf32, #tpu.memory_space<hbm>> -> memref<1000000x32xf32, #tpu.memory_space<hbm>>
      tpu.enqueue_indirect_dma source(%dma_start3A_178 : memref<1000000x32xf32, #tpu.memory_space<hbm>>) target(%dma_start3A_172 : memref<104x32xf32, #tpu.memory_space<vmem>>) offsets(%dma_start3A_175 : memref<104xi32, #tpu.memory_space<vmem>>) semaphore(%arg17 : memref<!tpu.dma_semaphore, #tpu.memory_space<semaphore_mem>>)
      %dma_start3A_179 = arith.constant 2 : i32
      %dma_start3A_180 = arith.constant 2 : i32
      %dma_start3A_181 = arith.constant 0 : i32
      %dma_start3A_182 = arith.constant 0 : i32
      %dma_start3A_183 = tpu.memref_slice %arg16[%dma_start3A_180, %dma_start3A_181, %dma_start3A_182] : memref<4x200x32xf32, #tpu.memory_space<vmem>> -> memref<1x104x32xf32, #tpu.memory_space<vmem>>
      %dma_start3A_184 = tpu.memref_squeeze %dma_start3A_183 : memref<1x104x32xf32, #tpu.memory_space<vmem>> -> memref<104x32xf32, #tpu.memory_space<vmem>>
      %dma_start3A_185 = arith.constant 0 : i32
      %dma_start3A_186 = tpu.memref_slice %arg13[%dma_start3A_179, %dma_start3A_185] : memref<4x200xi32, #tpu.memory_space<vmem>> -> memref<1x104xi32, #tpu.memory_space<vmem>>
      %dma_start3A_187 = tpu.memref_squeeze %dma_start3A_186 : memref<1x104xi32, #tpu.memory_space<vmem>> -> memref<104xi32, #tpu.memory_space<vmem>>
      %dma_start3A_188 = arith.constant 0 : i32
      %dma_start3A_189 = arith.constant 0 : i32
      %dma_start3A_190 = tpu.memref_slice %arg7[%dma_start3A_188, %dma_start3A_189] : memref<1000000x32xf32, #tpu.memory_space<hbm>> -> memref<1000000x32xf32, #tpu.memory_space<hbm>>
      tpu.enqueue_indirect_dma source(%dma_start3A_190 : memref<1000000x32xf32, #tpu.memory_space<hbm>>) target(%dma_start3A_184 : memref<104x32xf32, #tpu.memory_space<vmem>>) offsets(%dma_start3A_187 : memref<104xi32, #tpu.memory_space<vmem>>) semaphore(%arg17 : memref<!tpu.dma_semaphore, #tpu.memory_space<semaphore_mem>>)
      %dma_start3A_191 = arith.constant 2 : i32
      %dma_start3A_192 = arith.constant 2 : i32
      %dma_start3A_193 = arith.constant 104 : i32
      %dma_start3A_194 = arith.constant 0 : i32
      %dma_start3A_195 = tpu.memref_slice %arg14[%dma_start3A_192, %dma_start3A_193, %dma_start3A_194] : memref<4x200x32xf32, #tpu.memory_space<vmem>> -> memref<1x96x32xf32, #tpu.memory_space<vmem>>
      %dma_start3A_196 = tpu.memref_squeeze %dma_start3A_195 : memref<1x96x32xf32, #tpu.memory_space<vmem>> -> memref<96x32xf32, #tpu.memory_space<vmem>>
      %dma_start3A_197 = arith.constant 104 : i32
      %dma_start3A_198 = tpu.memref_slice %arg11[%dma_start3A_191, %dma_start3A_197] : memref<4x200xi32, #tpu.memory_space<vmem>> -> memref<1x96xi32, #tpu.memory_space<vmem>>
      %dma_start3A_199 = tpu.memref_squeeze %dma_start3A_198 : memref<1x96xi32, #tpu.memory_space<vmem>> -> memref<96xi32, #tpu.memory_space<vmem>>
      %dma_start3A_200 = arith.constant 0 : i32
      %dma_start3A_201 = arith.constant 0 : i32
      %dma_start3A_202 = tpu.memref_slice %arg5[%dma_start3A_200, %dma_start3A_201] : memref<100000x32xf32, #tpu.memory_space<hbm>> -> memref<100000x32xf32, #tpu.memory_space<hbm>>
      tpu.enqueue_indirect_dma source(%dma_start3A_202 : memref<100000x32xf32, #tpu.memory_space<hbm>>) target(%dma_start3A_196 : memref<96x32xf32, #tpu.memory_space<vmem>>) offsets(%dma_start3A_199 : memref<96xi32, #tpu.memory_space<vmem>>) semaphore(%arg17 : memref<!tpu.dma_semaphore, #tpu.memory_space<semaphore_mem>>)
      %dma_start3A_203 = arith.constant 2 : i32
      %dma_start3A_204 = arith.constant 2 : i32
      %dma_start3A_205 = arith.constant 104 : i32
      %dma_start3A_206 = arith.constant 0 : i32
      %dma_start3A_207 = tpu.memref_slice %arg15[%dma_start3A_204, %dma_start3A_205, %dma_start3A_206] : memref<4x200x32xf32, #tpu.memory_space<vmem>> -> memref<1x96x32xf32, #tpu.memory_space<vmem>>
      %dma_start3A_208 = tpu.memref_squeeze %dma_start3A_207 : memref<1x96x32xf32, #tpu.memory_space<vmem>> -> memref<96x32xf32, #tpu.memory_space<vmem>>
      %dma_start3A_209 = arith.constant 104 : i32
      %dma_start3A_210 = tpu.memref_slice %arg12[%dma_start3A_203, %dma_start3A_209] : memref<4x200xi32, #tpu.memory_space<vmem>> -> memref<1x96xi32, #tpu.memory_space<vmem>>
      %dma_start3A_211 = tpu.memref_squeeze %dma_start3A_210 : memref<1x96xi32, #tpu.memory_space<vmem>> -> memref<96xi32, #tpu.memory_space<vmem>>
      %dma_start3A_212 = arith.constant 0 : i32
      %dma_start3A_213 = arith.constant 0 : i32
      %dma_start3A_214 = tpu.memref_slice %arg6[%dma_start3A_212, %dma_start3A_213] : memref<1000000x32xf32, #tpu.memory_space<hbm>> -> memref<1000000x32xf32, #tpu.memory_space<hbm>>
      tpu.enqueue_indirect_dma source(%dma_start3A_214 : memref<1000000x32xf32, #tpu.memory_space<hbm>>) target(%dma_start3A_208 : memref<96x32xf32, #tpu.memory_space<vmem>>) offsets(%dma_start3A_211 : memref<96xi32, #tpu.memory_space<vmem>>) semaphore(%arg17 : memref<!tpu.dma_semaphore, #tpu.memory_space<semaphore_mem>>)
      %dma_start3A_215 = arith.constant 2 : i32
      %dma_start3A_216 = arith.constant 2 : i32
      %dma_start3A_217 = arith.constant 104 : i32
      %dma_start3A_218 = arith.constant 0 : i32
      %dma_start3A_219 = tpu.memref_slice %arg16[%dma_start3A_216, %dma_start3A_217, %dma_start3A_218] : memref<4x200x32xf32, #tpu.memory_space<vmem>> -> memref<1x96x32xf32, #tpu.memory_space<vmem>>
      %dma_start3A_220 = tpu.memref_squeeze %dma_start3A_219 : memref<1x96x32xf32, #tpu.memory_space<vmem>> -> memref<96x32xf32, #tpu.memory_space<vmem>>
      %dma_start3A_221 = arith.constant 104 : i32
      %dma_start3A_222 = tpu.memref_slice %arg13[%dma_start3A_215, %dma_start3A_221] : memref<4x200xi32, #tpu.memory_space<vmem>> -> memref<1x96xi32, #tpu.memory_space<vmem>>
      %dma_start3A_223 = tpu.memref_squeeze %dma_start3A_222 : memref<1x96xi32, #tpu.memory_space<vmem>> -> memref<96xi32, #tpu.memory_space<vmem>>
      %dma_start3A_224 = arith.constant 0 : i32
      %dma_start3A_225 = arith.constant 0 : i32
      %dma_start3A_226 = tpu.memref_slice %arg7[%dma_start3A_224, %dma_start3A_225] : memref<1000000x32xf32, #tpu.memory_space<hbm>> -> memref<1000000x32xf32, #tpu.memory_space<hbm>>
      tpu.enqueue_indirect_dma source(%dma_start3A_226 : memref<1000000x32xf32, #tpu.memory_space<hbm>>) target(%dma_start3A_220 : memref<96x32xf32, #tpu.memory_space<vmem>>) offsets(%dma_start3A_223 : memref<96xi32, #tpu.memory_space<vmem>>) semaphore(%arg17 : memref<!tpu.dma_semaphore, #tpu.memory_space<semaphore_mem>>)
      %dma_start3A_227 = arith.constant 3 : i32
      %dma_start3A_228 = arith.constant 3 : i32
      %dma_start3A_229 = arith.constant 0 : i32
      %dma_start3A_230 = arith.constant 0 : i32
      %dma_start3A_231 = tpu.memref_slice %arg14[%dma_start3A_228, %dma_start3A_229, %dma_start3A_230] : memref<4x200x32xf32, #tpu.memory_space<vmem>> -> memref<1x104x32xf32, #tpu.memory_space<vmem>>
      %dma_start3A_232 = tpu.memref_squeeze %dma_start3A_231 : memref<1x104x32xf32, #tpu.memory_space<vmem>> -> memref<104x32xf32, #tpu.memory_space<vmem>>
      %dma_start3A_233 = arith.constant 0 : i32
      %dma_start3A_234 = tpu.memref_slice %arg11[%dma_start3A_227, %dma_start3A_233] : memref<4x200xi32, #tpu.memory_space<vmem>> -> memref<1x104xi32, #tpu.memory_space<vmem>>
      %dma_start3A_235 = tpu.memref_squeeze %dma_start3A_234 : memref<1x104xi32, #tpu.memory_space<vmem>> -> memref<104xi32, #tpu.memory_space<vmem>>
      %dma_start3A_236 = arith.constant 0 : i32
      %dma_start3A_237 = arith.constant 0 : i32
      %dma_start3A_238 = tpu.memref_slice %arg5[%dma_start3A_236, %dma_start3A_237] : memref<100000x32xf32, #tpu.memory_space<hbm>> -> memref<100000x32xf32, #tpu.memory_space<hbm>>
      tpu.enqueue_indirect_dma source(%dma_start3A_238 : memref<100000x32xf32, #tpu.memory_space<hbm>>) target(%dma_start3A_232 : memref<104x32xf32, #tpu.memory_space<vmem>>) offsets(%dma_start3A_235 : memref<104xi32, #tpu.memory_space<vmem>>) semaphore(%arg17 : memref<!tpu.dma_semaphore, #tpu.memory_space<semaphore_mem>>)
      %dma_start3A_239 = arith.constant 3 : i32
      %dma_start3A_240 = arith.constant 3 : i32
      %dma_start3A_241 = arith.constant 0 : i32
      %dma_start3A_242 = arith.constant 0 : i32
      %dma_start3A_243 = tpu.memref_slice %arg15[%dma_start3A_240, %dma_start3A_241, %dma_start3A_242] : memref<4x200x32xf32, #tpu.memory_space<vmem>> -> memref<1x104x32xf32, #tpu.memory_space<vmem>>
      %dma_start3A_244 = tpu.memref_squeeze %dma_start3A_243 : memref<1x104x32xf32, #tpu.memory_space<vmem>> -> memref<104x32xf32, #tpu.memory_space<vmem>>
      %dma_start3A_245 = arith.constant 0 : i32
      %dma_start3A_246 = tpu.memref_slice %arg12[%dma_start3A_239, %dma_start3A_245] : memref<4x200xi32, #tpu.memory_space<vmem>> -> memref<1x104xi32, #tpu.memory_space<vmem>>
      %dma_start3A_247 = tpu.memref_squeeze %dma_start3A_246 : memref<1x104xi32, #tpu.memory_space<vmem>> -> memref<104xi32, #tpu.memory_space<vmem>>
      %dma_start3A_248 = arith.constant 0 : i32
      %dma_start3A_249 = arith.constant 0 : i32
      %dma_start3A_250 = tpu.memref_slice %arg6[%dma_start3A_248, %dma_start3A_249] : memref<1000000x32xf32, #tpu.memory_space<hbm>> -> memref<1000000x32xf32, #tpu.memory_space<hbm>>
      tpu.enqueue_indirect_dma source(%dma_start3A_250 : memref<1000000x32xf32, #tpu.memory_space<hbm>>) target(%dma_start3A_244 : memref<104x32xf32, #tpu.memory_space<vmem>>) offsets(%dma_start3A_247 : memref<104xi32, #tpu.memory_space<vmem>>) semaphore(%arg17 : memref<!tpu.dma_semaphore, #tpu.memory_space<semaphore_mem>>)
      %dma_start3A_251 = arith.constant 3 : i32
      %dma_start3A_252 = arith.constant 3 : i32
      %dma_start3A_253 = arith.constant 0 : i32
      %dma_start3A_254 = arith.constant 0 : i32
      %dma_start3A_255 = tpu.memref_slice %arg16[%dma_start3A_252, %dma_start3A_253, %dma_start3A_254] : memref<4x200x32xf32, #tpu.memory_space<vmem>> -> memref<1x104x32xf32, #tpu.memory_space<vmem>>
      %dma_start3A_256 = tpu.memref_squeeze %dma_start3A_255 : memref<1x104x32xf32, #tpu.memory_space<vmem>> -> memref<104x32xf32, #tpu.memory_space<vmem>>
      %dma_start3A_257 = arith.constant 0 : i32
      %dma_start3A_258 = tpu.memref_slice %arg13[%dma_start3A_251, %dma_start3A_257] : memref<4x200xi32, #tpu.memory_space<vmem>> -> memref<1x104xi32, #tpu.memory_space<vmem>>
      %dma_start3A_259 = tpu.memref_squeeze %dma_start3A_258 : memref<1x104xi32, #tpu.memory_space<vmem>> -> memref<104xi32, #tpu.memory_space<vmem>>
      %dma_start3A_260 = arith.constant 0 : i32
      %dma_start3A_261 = arith.constant 0 : i32
      %dma_start3A_262 = tpu.memref_slice %arg7[%dma_start3A_260, %dma_start3A_261] : memref<1000000x32xf32, #tpu.memory_space<hbm>> -> memref<1000000x32xf32, #tpu.memory_space<hbm>>
      tpu.enqueue_indirect_dma source(%dma_start3A_262 : memref<1000000x32xf32, #tpu.memory_space<hbm>>) target(%dma_start3A_256 : memref<104x32xf32, #tpu.memory_space<vmem>>) offsets(%dma_start3A_259 : memref<104xi32, #tpu.memory_space<vmem>>) semaphore(%arg17 : memref<!tpu.dma_semaphore, #tpu.memory_space<semaphore_mem>>)
      %dma_start3A_263 = arith.constant 3 : i32
      %dma_start3A_264 = arith.constant 3 : i32
      %dma_start3A_265 = arith.constant 104 : i32
      %dma_start3A_266 = arith.constant 0 : i32
      %dma_start3A_267 = tpu.memref_slice %arg14[%dma_start3A_264, %dma_start3A_265, %dma_start3A_266] : memref<4x200x32xf32, #tpu.memory_space<vmem>> -> memref<1x96x32xf32, #tpu.memory_space<vmem>>
      %dma_start3A_268 = tpu.memref_squeeze %dma_start3A_267 : memref<1x96x32xf32, #tpu.memory_space<vmem>> -> memref<96x32xf32, #tpu.memory_space<vmem>>
      %dma_start3A_269 = arith.constant 104 : i32
      %dma_start3A_270 = tpu.memref_slice %arg11[%dma_start3A_263, %dma_start3A_269] : memref<4x200xi32, #tpu.memory_space<vmem>> -> memref<1x96xi32, #tpu.memory_space<vmem>>
      %dma_start3A_271 = tpu.memref_squeeze %dma_start3A_270 : memref<1x96xi32, #tpu.memory_space<vmem>> -> memref<96xi32, #tpu.memory_space<vmem>>
      %dma_start3A_272 = arith.constant 0 : i32
      %dma_start3A_273 = arith.constant 0 : i32
      %dma_start3A_274 = tpu.memref_slice %arg5[%dma_start3A_272, %dma_start3A_273] : memref<100000x32xf32, #tpu.memory_space<hbm>> -> memref<100000x32xf32, #tpu.memory_space<hbm>>
      tpu.enqueue_indirect_dma source(%dma_start3A_274 : memref<100000x32xf32, #tpu.memory_space<hbm>>) target(%dma_start3A_268 : memref<96x32xf32, #tpu.memory_space<vmem>>) offsets(%dma_start3A_271 : memref<96xi32, #tpu.memory_space<vmem>>) semaphore(%arg17 : memref<!tpu.dma_semaphore, #tpu.memory_space<semaphore_mem>>)
      %dma_start3A_275 = arith.constant 3 : i32
      %dma_start3A_276 = arith.constant 3 : i32
      %dma_start3A_277 = arith.constant 104 : i32
      %dma_start3A_278 = arith.constant 0 : i32
      %dma_start3A_279 = tpu.memref_slice %arg15[%dma_start3A_276, %dma_start3A_277, %dma_start3A_278] : memref<4x200x32xf32, #tpu.memory_space<vmem>> -> memref<1x96x32xf32, #tpu.memory_space<vmem>>
      %dma_start3A_280 = tpu.memref_squeeze %dma_start3A_279 : memref<1x96x32xf32, #tpu.memory_space<vmem>> -> memref<96x32xf32, #tpu.memory_space<vmem>>
      %dma_start3A_281 = arith.constant 104 : i32
      %dma_start3A_282 = tpu.memref_slice %arg12[%dma_start3A_275, %dma_start3A_281] : memref<4x200xi32, #tpu.memory_space<vmem>> -> memref<1x96xi32, #tpu.memory_space<vmem>>
      %dma_start3A_283 = tpu.memref_squeeze %dma_start3A_282 : memref<1x96xi32, #tpu.memory_space<vmem>> -> memref<96xi32, #tpu.memory_space<vmem>>
      %dma_start3A_284 = arith.constant 0 : i32
      %dma_start3A_285 = arith.constant 0 : i32
      %dma_start3A_286 = tpu.memref_slice %arg6[%dma_start3A_284, %dma_start3A_285] : memref<1000000x32xf32, #tpu.memory_space<hbm>> -> memref<1000000x32xf32, #tpu.memory_space<hbm>>
      tpu.enqueue_indirect_dma source(%dma_start3A_286 : memref<1000000x32xf32, #tpu.memory_space<hbm>>) target(%dma_start3A_280 : memref<96x32xf32, #tpu.memory_space<vmem>>) offsets(%dma_start3A_283 : memref<96xi32, #tpu.memory_space<vmem>>) semaphore(%arg17 : memref<!tpu.dma_semaphore, #tpu.memory_space<semaphore_mem>>)
      %dma_start3A_287 = arith.constant 3 : i32
      %dma_start3A_288 = arith.constant 3 : i32
      %dma_start3A_289 = arith.constant 104 : i32
      %dma_start3A_290 = arith.constant 0 : i32
      %dma_start3A_291 = tpu.memref_slice %arg16[%dma_start3A_288, %dma_start3A_289, %dma_start3A_290] : memref<4x200x32xf32, #tpu.memory_space<vmem>> -> memref<1x96x32xf32, #tpu.memory_space<vmem>>
      %dma_start3A_292 = tpu.memref_squeeze %dma_start3A_291 : memref<1x96x32xf32, #tpu.memory_space<vmem>> -> memref<96x32xf32, #tpu.memory_space<vmem>>
      %dma_start3A_293 = arith.constant 104 : i32
      %dma_start3A_294 = tpu.memref_slice %arg13[%dma_start3A_287, %dma_start3A_293] : memref<4x200xi32, #tpu.memory_space<vmem>> -> memref<1x96xi32, #tpu.memory_space<vmem>>
      %dma_start3A_295 = tpu.memref_squeeze %dma_start3A_294 : memref<1x96xi32, #tpu.memory_space<vmem>> -> memref<96xi32, #tpu.memory_space<vmem>>
      %dma_start3A_296 = arith.constant 0 : i32
      %dma_start3A_297 = arith.constant 0 : i32
      %dma_start3A_298 = tpu.memref_slice %arg7[%dma_start3A_296, %dma_start3A_297] : memref<1000000x32xf32, #tpu.memory_space<hbm>> -> memref<1000000x32xf32, #tpu.memory_space<hbm>>
      tpu.enqueue_indirect_dma source(%dma_start3A_298 : memref<1000000x32xf32, #tpu.memory_space<hbm>>) target(%dma_start3A_292 : memref<96x32xf32, #tpu.memory_space<vmem>>) offsets(%dma_start3A_295 : memref<96xi32, #tpu.memory_space<vmem>>) semaphore(%arg17 : memref<!tpu.dma_semaphore, #tpu.memory_space<semaphore_mem>>)
      %dma_wait3A = arith.constant 0 : i32
      %dma_wait3A_299 = arith.constant 0 : i32
      %dma_wait3A_300 = arith.constant 0 : i32
      %dma_wait3A_301 = arith.constant 0 : i32
      %dma_wait3A_302 = tpu.memref_slice %arg14[%dma_wait3A_299, %dma_wait3A_300, %dma_wait3A_301] : memref<4x200x32xf32, #tpu.memory_space<vmem>> -> memref<1x104x32xf32, #tpu.memory_space<vmem>>
      %dma_wait3A_303 = tpu.memref_squeeze %dma_wait3A_302 : memref<1x104x32xf32, #tpu.memory_space<vmem>> -> memref<104x32xf32, #tpu.memory_space<vmem>>
      %dma_wait3A_304 = arith.constant 0 : i32
      %dma_wait3A_305 = tpu.memref_slice %arg11[%dma_wait3A, %dma_wait3A_304] : memref<4x200xi32, #tpu.memory_space<vmem>> -> memref<1x104xi32, #tpu.memory_space<vmem>>
      %dma_wait3A_306 = tpu.memref_squeeze %dma_wait3A_305 : memref<1x104xi32, #tpu.memory_space<vmem>> -> memref<104xi32, #tpu.memory_space<vmem>>
      %dma_wait3A_307 = arith.constant 0 : i32
      %dma_wait3A_308 = arith.constant 0 : i32
      %dma_wait3A_309 = tpu.memref_slice %arg5[%dma_wait3A_307, %dma_wait3A_308] : memref<100000x32xf32, #tpu.memory_space<hbm>> -> memref<100000x32xf32, #tpu.memory_space<hbm>>
      tpu.wait_indirect_dma semaphore(%arg17 : memref<!tpu.dma_semaphore, #tpu.memory_space<semaphore_mem>>) src(%dma_wait3A_309 : memref<100000x32xf32, #tpu.memory_space<hbm>>) dst(%dma_wait3A_303 : memref<104x32xf32, #tpu.memory_space<vmem>>)
      %dma_wait3A_310 = arith.constant 0 : i32
      %dma_wait3A_311 = arith.constant 0 : i32
      %dma_wait3A_312 = arith.constant 0 : i32
      %dma_wait3A_313 = arith.constant 0 : i32
      %dma_wait3A_314 = tpu.memref_slice %arg15[%dma_wait3A_311, %dma_wait3A_312, %dma_wait3A_313] : memref<4x200x32xf32, #tpu.memory_space<vmem>> -> memref<1x104x32xf32, #tpu.memory_space<vmem>>
      %dma_wait3A_315 = tpu.memref_squeeze %dma_wait3A_314 : memref<1x104x32xf32, #tpu.memory_space<vmem>> -> memref<104x32xf32, #tpu.memory_space<vmem>>
      %dma_wait3A_316 = arith.constant 0 : i32
      %dma_wait3A_317 = tpu.memref_slice %arg12[%dma_wait3A_310, %dma_wait3A_316] : memref<4x200xi32, #tpu.memory_space<vmem>> -> memref<1x104xi32, #tpu.memory_space<vmem>>
      %dma_wait3A_318 = tpu.memref_squeeze %dma_wait3A_317 : memref<1x104xi32, #tpu.memory_space<vmem>> -> memref<104xi32, #tpu.memory_space<vmem>>
      %dma_wait3A_319 = arith.constant 0 : i32
      %dma_wait3A_320 = arith.constant 0 : i32
      %dma_wait3A_321 = tpu.memref_slice %arg6[%dma_wait3A_319, %dma_wait3A_320] : memref<1000000x32xf32, #tpu.memory_space<hbm>> -> memref<1000000x32xf32, #tpu.memory_space<hbm>>
      tpu.wait_indirect_dma semaphore(%arg17 : memref<!tpu.dma_semaphore, #tpu.memory_space<semaphore_mem>>) src(%dma_wait3A_321 : memref<1000000x32xf32, #tpu.memory_space<hbm>>) dst(%dma_wait3A_315 : memref<104x32xf32, #tpu.memory_space<vmem>>)
      %dma_wait3A_322 = arith.constant 0 : i32
      %dma_wait3A_323 = arith.constant 0 : i32
      %dma_wait3A_324 = arith.constant 0 : i32
      %dma_wait3A_325 = arith.constant 0 : i32
      %dma_wait3A_326 = tpu.memref_slice %arg16[%dma_wait3A_323, %dma_wait3A_324, %dma_wait3A_325] : memref<4x200x32xf32, #tpu.memory_space<vmem>> -> memref<1x104x32xf32, #tpu.memory_space<vmem>>
      %dma_wait3A_327 = tpu.memref_squeeze %dma_wait3A_326 : memref<1x104x32xf32, #tpu.memory_space<vmem>> -> memref<104x32xf32, #tpu.memory_space<vmem>>
      %dma_wait3A_328 = arith.constant 0 : i32
      %dma_wait3A_329 = tpu.memref_slice %arg13[%dma_wait3A_322, %dma_wait3A_328] : memref<4x200xi32, #tpu.memory_space<vmem>> -> memref<1x104xi32, #tpu.memory_space<vmem>>
      %dma_wait3A_330 = tpu.memref_squeeze %dma_wait3A_329 : memref<1x104xi32, #tpu.memory_space<vmem>> -> memref<104xi32, #tpu.memory_space<vmem>>
      %dma_wait3A_331 = arith.constant 0 : i32
      %dma_wait3A_332 = arith.constant 0 : i32
      %dma_wait3A_333 = tpu.memref_slice %arg7[%dma_wait3A_331, %dma_wait3A_332] : memref<1000000x32xf32, #tpu.memory_space<hbm>> -> memref<1000000x32xf32, #tpu.memory_space<hbm>>
      tpu.wait_indirect_dma semaphore(%arg17 : memref<!tpu.dma_semaphore, #tpu.memory_space<semaphore_mem>>) src(%dma_wait3A_333 : memref<1000000x32xf32, #tpu.memory_space<hbm>>) dst(%dma_wait3A_327 : memref<104x32xf32, #tpu.memory_space<vmem>>)
      %dma_wait3A_334 = arith.constant 0 : i32
      %dma_wait3A_335 = arith.constant 0 : i32
      %dma_wait3A_336 = arith.constant 104 : i32
      %dma_wait3A_337 = arith.constant 0 : i32
      %dma_wait3A_338 = tpu.memref_slice %arg14[%dma_wait3A_335, %dma_wait3A_336, %dma_wait3A_337] : memref<4x200x32xf32, #tpu.memory_space<vmem>> -> memref<1x96x32xf32, #tpu.memory_space<vmem>>
      %dma_wait3A_339 = tpu.memref_squeeze %dma_wait3A_338 : memref<1x96x32xf32, #tpu.memory_space<vmem>> -> memref<96x32xf32, #tpu.memory_space<vmem>>
      %dma_wait3A_340 = arith.constant 104 : i32
      %dma_wait3A_341 = tpu.memref_slice %arg11[%dma_wait3A_334, %dma_wait3A_340] : memref<4x200xi32, #tpu.memory_space<vmem>> -> memref<1x96xi32, #tpu.memory_space<vmem>>
      %dma_wait3A_342 = tpu.memref_squeeze %dma_wait3A_341 : memref<1x96xi32, #tpu.memory_space<vmem>> -> memref<96xi32, #tpu.memory_space<vmem>>
      %dma_wait3A_343 = arith.constant 0 : i32
      %dma_wait3A_344 = arith.constant 0 : i32
      %dma_wait3A_345 = tpu.memref_slice %arg5[%dma_wait3A_343, %dma_wait3A_344] : memref<100000x32xf32, #tpu.memory_space<hbm>> -> memref<100000x32xf32, #tpu.memory_space<hbm>>
      tpu.wait_indirect_dma semaphore(%arg17 : memref<!tpu.dma_semaphore, #tpu.memory_space<semaphore_mem>>) src(%dma_wait3A_345 : memref<100000x32xf32, #tpu.memory_space<hbm>>) dst(%dma_wait3A_339 : memref<96x32xf32, #tpu.memory_space<vmem>>)
      %dma_wait3A_346 = arith.constant 0 : i32
      %dma_wait3A_347 = arith.constant 0 : i32
      %dma_wait3A_348 = arith.constant 104 : i32
      %dma_wait3A_349 = arith.constant 0 : i32
      %dma_wait3A_350 = tpu.memref_slice %arg15[%dma_wait3A_347, %dma_wait3A_348, %dma_wait3A_349] : memref<4x200x32xf32, #tpu.memory_space<vmem>> -> memref<1x96x32xf32, #tpu.memory_space<vmem>>
      %dma_wait3A_351 = tpu.memref_squeeze %dma_wait3A_350 : memref<1x96x32xf32, #tpu.memory_space<vmem>> -> memref<96x32xf32, #tpu.memory_space<vmem>>
      %dma_wait3A_352 = arith.constant 104 : i32
      %dma_wait3A_353 = tpu.memref_slice %arg12[%dma_wait3A_346, %dma_wait3A_352] : memref<4x200xi32, #tpu.memory_space<vmem>> -> memref<1x96xi32, #tpu.memory_space<vmem>>
      %dma_wait3A_354 = tpu.memref_squeeze %dma_wait3A_353 : memref<1x96xi32, #tpu.memory_space<vmem>> -> memref<96xi32, #tpu.memory_space<vmem>>
      %dma_wait3A_355 = arith.constant 0 : i32
      %dma_wait3A_356 = arith.constant 0 : i32
      %dma_wait3A_357 = tpu.memref_slice %arg6[%dma_wait3A_355, %dma_wait3A_356] : memref<1000000x32xf32, #tpu.memory_space<hbm>> -> memref<1000000x32xf32, #tpu.memory_space<hbm>>
      tpu.wait_indirect_dma semaphore(%arg17 : memref<!tpu.dma_semaphore, #tpu.memory_space<semaphore_mem>>) src(%dma_wait3A_357 : memref<1000000x32xf32, #tpu.memory_space<hbm>>) dst(%dma_wait3A_351 : memref<96x32xf32, #tpu.memory_space<vmem>>)
      %dma_wait3A_358 = arith.constant 0 : i32
      %dma_wait3A_359 = arith.constant 0 : i32
      %dma_wait3A_360 = arith.constant 104 : i32
      %dma_wait3A_361 = arith.constant 0 : i32
      %dma_wait3A_362 = tpu.memref_slice %arg16[%dma_wait3A_359, %dma_wait3A_360, %dma_wait3A_361] : memref<4x200x32xf32, #tpu.memory_space<vmem>> -> memref<1x96x32xf32, #tpu.memory_space<vmem>>
      %dma_wait3A_363 = tpu.memref_squeeze %dma_wait3A_362 : memref<1x96x32xf32, #tpu.memory_space<vmem>> -> memref<96x32xf32, #tpu.memory_space<vmem>>
      %dma_wait3A_364 = arith.constant 104 : i32
      %dma_wait3A_365 = tpu.memref_slice %arg13[%dma_wait3A_358, %dma_wait3A_364] : memref<4x200xi32, #tpu.memory_space<vmem>> -> memref<1x96xi32, #tpu.memory_space<vmem>>
      %dma_wait3A_366 = tpu.memref_squeeze %dma_wait3A_365 : memref<1x96xi32, #tpu.memory_space<vmem>> -> memref<96xi32, #tpu.memory_space<vmem>>
      %dma_wait3A_367 = arith.constant 0 : i32
      %dma_wait3A_368 = arith.constant 0 : i32
      %dma_wait3A_369 = tpu.memref_slice %arg7[%dma_wait3A_367, %dma_wait3A_368] : memref<1000000x32xf32, #tpu.memory_space<hbm>> -> memref<1000000x32xf32, #tpu.memory_space<hbm>>
      tpu.wait_indirect_dma semaphore(%arg17 : memref<!tpu.dma_semaphore, #tpu.memory_space<semaphore_mem>>) src(%dma_wait3A_369 : memref<1000000x32xf32, #tpu.memory_space<hbm>>) dst(%dma_wait3A_363 : memref<96x32xf32, #tpu.memory_space<vmem>>)
      %dma_wait3A_370 = arith.constant 1 : i32
      %dma_wait3A_371 = arith.constant 1 : i32
      %dma_wait3A_372 = arith.constant 0 : i32
      %dma_wait3A_373 = arith.constant 0 : i32
      %dma_wait3A_374 = tpu.memref_slice %arg14[%dma_wait3A_371, %dma_wait3A_372, %dma_wait3A_373] : memref<4x200x32xf32, #tpu.memory_space<vmem>> -> memref<1x104x32xf32, #tpu.memory_space<vmem>>
      %dma_wait3A_375 = tpu.memref_squeeze %dma_wait3A_374 : memref<1x104x32xf32, #tpu.memory_space<vmem>> -> memref<104x32xf32, #tpu.memory_space<vmem>>
      %dma_wait3A_376 = arith.constant 0 : i32
      %dma_wait3A_377 = tpu.memref_slice %arg11[%dma_wait3A_370, %dma_wait3A_376] : memref<4x200xi32, #tpu.memory_space<vmem>> -> memref<1x104xi32, #tpu.memory_space<vmem>>
      %dma_wait3A_378 = tpu.memref_squeeze %dma_wait3A_377 : memref<1x104xi32, #tpu.memory_space<vmem>> -> memref<104xi32, #tpu.memory_space<vmem>>
      %dma_wait3A_379 = arith.constant 0 : i32
      %dma_wait3A_380 = arith.constant 0 : i32
      %dma_wait3A_381 = tpu.memref_slice %arg5[%dma_wait3A_379, %dma_wait3A_380] : memref<100000x32xf32, #tpu.memory_space<hbm>> -> memref<100000x32xf32, #tpu.memory_space<hbm>>
      tpu.wait_indirect_dma semaphore(%arg17 : memref<!tpu.dma_semaphore, #tpu.memory_space<semaphore_mem>>) src(%dma_wait3A_381 : memref<100000x32xf32, #tpu.memory_space<hbm>>) dst(%dma_wait3A_375 : memref<104x32xf32, #tpu.memory_space<vmem>>)
      %dma_wait3A_382 = arith.constant 1 : i32
      %dma_wait3A_383 = arith.constant 1 : i32
      %dma_wait3A_384 = arith.constant 0 : i32
      %dma_wait3A_385 = arith.constant 0 : i32
      %dma_wait3A_386 = tpu.memref_slice %arg15[%dma_wait3A_383, %dma_wait3A_384, %dma_wait3A_385] : memref<4x200x32xf32, #tpu.memory_space<vmem>> -> memref<1x104x32xf32, #tpu.memory_space<vmem>>
      %dma_wait3A_387 = tpu.memref_squeeze %dma_wait3A_386 : memref<1x104x32xf32, #tpu.memory_space<vmem>> -> memref<104x32xf32, #tpu.memory_space<vmem>>
      %dma_wait3A_388 = arith.constant 0 : i32
      %dma_wait3A_389 = tpu.memref_slice %arg12[%dma_wait3A_382, %dma_wait3A_388] : memref<4x200xi32, #tpu.memory_space<vmem>> -> memref<1x104xi32, #tpu.memory_space<vmem>>
      %dma_wait3A_390 = tpu.memref_squeeze %dma_wait3A_389 : memref<1x104xi32, #tpu.memory_space<vmem>> -> memref<104xi32, #tpu.memory_space<vmem>>
      %dma_wait3A_391 = arith.constant 0 : i32
      %dma_wait3A_392 = arith.constant 0 : i32
      %dma_wait3A_393 = tpu.memref_slice %arg6[%dma_wait3A_391, %dma_wait3A_392] : memref<1000000x32xf32, #tpu.memory_space<hbm>> -> memref<1000000x32xf32, #tpu.memory_space<hbm>>
      tpu.wait_indirect_dma semaphore(%arg17 : memref<!tpu.dma_semaphore, #tpu.memory_space<semaphore_mem>>) src(%dma_wait3A_393 : memref<1000000x32xf32, #tpu.memory_space<hbm>>) dst(%dma_wait3A_387 : memref<104x32xf32, #tpu.memory_space<vmem>>)
      %dma_wait3A_394 = arith.constant 1 : i32
      %dma_wait3A_395 = arith.constant 1 : i32
      %dma_wait3A_396 = arith.constant 0 : i32
      %dma_wait3A_397 = arith.constant 0 : i32
      %dma_wait3A_398 = tpu.memref_slice %arg16[%dma_wait3A_395, %dma_wait3A_396, %dma_wait3A_397] : memref<4x200x32xf32, #tpu.memory_space<vmem>> -> memref<1x104x32xf32, #tpu.memory_space<vmem>>
      %dma_wait3A_399 = tpu.memref_squeeze %dma_wait3A_398 : memref<1x104x32xf32, #tpu.memory_space<vmem>> -> memref<104x32xf32, #tpu.memory_space<vmem>>
      %dma_wait3A_400 = arith.constant 0 : i32
      %dma_wait3A_401 = tpu.memref_slice %arg13[%dma_wait3A_394, %dma_wait3A_400] : memref<4x200xi32, #tpu.memory_space<vmem>> -> memref<1x104xi32, #tpu.memory_space<vmem>>
      %dma_wait3A_402 = tpu.memref_squeeze %dma_wait3A_401 : memref<1x104xi32, #tpu.memory_space<vmem>> -> memref<104xi32, #tpu.memory_space<vmem>>
      %dma_wait3A_403 = arith.constant 0 : i32
      %dma_wait3A_404 = arith.constant 0 : i32
      %dma_wait3A_405 = tpu.memref_slice %arg7[%dma_wait3A_403, %dma_wait3A_404] : memref<1000000x32xf32, #tpu.memory_space<hbm>> -> memref<1000000x32xf32, #tpu.memory_space<hbm>>
      tpu.wait_indirect_dma semaphore(%arg17 : memref<!tpu.dma_semaphore, #tpu.memory_space<semaphore_mem>>) src(%dma_wait3A_405 : memref<1000000x32xf32, #tpu.memory_space<hbm>>) dst(%dma_wait3A_399 : memref<104x32xf32, #tpu.memory_space<vmem>>)
      %dma_wait3A_406 = arith.constant 1 : i32
      %dma_wait3A_407 = arith.constant 1 : i32
      %dma_wait3A_408 = arith.constant 104 : i32
      %dma_wait3A_409 = arith.constant 0 : i32
      %dma_wait3A_410 = tpu.memref_slice %arg14[%dma_wait3A_407, %dma_wait3A_408, %dma_wait3A_409] : memref<4x200x32xf32, #tpu.memory_space<vmem>> -> memref<1x96x32xf32, #tpu.memory_space<vmem>>
      %dma_wait3A_411 = tpu.memref_squeeze %dma_wait3A_410 : memref<1x96x32xf32, #tpu.memory_space<vmem>> -> memref<96x32xf32, #tpu.memory_space<vmem>>
      %dma_wait3A_412 = arith.constant 104 : i32
      %dma_wait3A_413 = tpu.memref_slice %arg11[%dma_wait3A_406, %dma_wait3A_412] : memref<4x200xi32, #tpu.memory_space<vmem>> -> memref<1x96xi32, #tpu.memory_space<vmem>>
      %dma_wait3A_414 = tpu.memref_squeeze %dma_wait3A_413 : memref<1x96xi32, #tpu.memory_space<vmem>> -> memref<96xi32, #tpu.memory_space<vmem>>
      %dma_wait3A_415 = arith.constant 0 : i32
      %dma_wait3A_416 = arith.constant 0 : i32
      %dma_wait3A_417 = tpu.memref_slice %arg5[%dma_wait3A_415, %dma_wait3A_416] : memref<100000x32xf32, #tpu.memory_space<hbm>> -> memref<100000x32xf32, #tpu.memory_space<hbm>>
      tpu.wait_indirect_dma semaphore(%arg17 : memref<!tpu.dma_semaphore, #tpu.memory_space<semaphore_mem>>) src(%dma_wait3A_417 : memref<100000x32xf32, #tpu.memory_space<hbm>>) dst(%dma_wait3A_411 : memref<96x32xf32, #tpu.memory_space<vmem>>)
      %dma_wait3A_418 = arith.constant 1 : i32
      %dma_wait3A_419 = arith.constant 1 : i32
      %dma_wait3A_420 = arith.constant 104 : i32
      %dma_wait3A_421 = arith.constant 0 : i32
      %dma_wait3A_422 = tpu.memref_slice %arg15[%dma_wait3A_419, %dma_wait3A_420, %dma_wait3A_421] : memref<4x200x32xf32, #tpu.memory_space<vmem>> -> memref<1x96x32xf32, #tpu.memory_space<vmem>>
      %dma_wait3A_423 = tpu.memref_squeeze %dma_wait3A_422 : memref<1x96x32xf32, #tpu.memory_space<vmem>> -> memref<96x32xf32, #tpu.memory_space<vmem>>
      %dma_wait3A_424 = arith.constant 104 : i32
      %dma_wait3A_425 = tpu.memref_slice %arg12[%dma_wait3A_418, %dma_wait3A_424] : memref<4x200xi32, #tpu.memory_space<vmem>> -> memref<1x96xi32, #tpu.memory_space<vmem>>
      %dma_wait3A_426 = tpu.memref_squeeze %dma_wait3A_425 : memref<1x96xi32, #tpu.memory_space<vmem>> -> memref<96xi32, #tpu.memory_space<vmem>>
      %dma_wait3A_427 = arith.constant 0 : i32
      %dma_wait3A_428 = arith.constant 0 : i32
      %dma_wait3A_429 = tpu.memref_slice %arg6[%dma_wait3A_427, %dma_wait3A_428] : memref<1000000x32xf32, #tpu.memory_space<hbm>> -> memref<1000000x32xf32, #tpu.memory_space<hbm>>
      tpu.wait_indirect_dma semaphore(%arg17 : memref<!tpu.dma_semaphore, #tpu.memory_space<semaphore_mem>>) src(%dma_wait3A_429 : memref<1000000x32xf32, #tpu.memory_space<hbm>>) dst(%dma_wait3A_423 : memref<96x32xf32, #tpu.memory_space<vmem>>)
      %dma_wait3A_430 = arith.constant 1 : i32
      %dma_wait3A_431 = arith.constant 1 : i32
      %dma_wait3A_432 = arith.constant 104 : i32
      %dma_wait3A_433 = arith.constant 0 : i32
      %dma_wait3A_434 = tpu.memref_slice %arg16[%dma_wait3A_431, %dma_wait3A_432, %dma_wait3A_433] : memref<4x200x32xf32, #tpu.memory_space<vmem>> -> memref<1x96x32xf32, #tpu.memory_space<vmem>>
      %dma_wait3A_435 = tpu.memref_squeeze %dma_wait3A_434 : memref<1x96x32xf32, #tpu.memory_space<vmem>> -> memref<96x32xf32, #tpu.memory_space<vmem>>
      %dma_wait3A_436 = arith.constant 104 : i32
      %dma_wait3A_437 = tpu.memref_slice %arg13[%dma_wait3A_430, %dma_wait3A_436] : memref<4x200xi32, #tpu.memory_space<vmem>> -> memref<1x96xi32, #tpu.memory_space<vmem>>
      %dma_wait3A_438 = tpu.memref_squeeze %dma_wait3A_437 : memref<1x96xi32, #tpu.memory_space<vmem>> -> memref<96xi32, #tpu.memory_space<vmem>>
      %dma_wait3A_439 = arith.constant 0 : i32
      %dma_wait3A_440 = arith.constant 0 : i32
      %dma_wait3A_441 = tpu.memref_slice %arg7[%dma_wait3A_439, %dma_wait3A_440] : memref<1000000x32xf32, #tpu.memory_space<hbm>> -> memref<1000000x32xf32, #tpu.memory_space<hbm>>
      tpu.wait_indirect_dma semaphore(%arg17 : memref<!tpu.dma_semaphore, #tpu.memory_space<semaphore_mem>>) src(%dma_wait3A_441 : memref<1000000x32xf32, #tpu.memory_space<hbm>>) dst(%dma_wait3A_435 : memref<96x32xf32, #tpu.memory_space<vmem>>)
      %dma_wait3A_442 = arith.constant 2 : i32
      %dma_wait3A_443 = arith.constant 2 : i32
      %dma_wait3A_444 = arith.constant 0 : i32
      %dma_wait3A_445 = arith.constant 0 : i32
      %dma_wait3A_446 = tpu.memref_slice %arg14[%dma_wait3A_443, %dma_wait3A_444, %dma_wait3A_445] : memref<4x200x32xf32, #tpu.memory_space<vmem>> -> memref<1x104x32xf32, #tpu.memory_space<vmem>>
      %dma_wait3A_447 = tpu.memref_squeeze %dma_wait3A_446 : memref<1x104x32xf32, #tpu.memory_space<vmem>> -> memref<104x32xf32, #tpu.memory_space<vmem>>
      %dma_wait3A_448 = arith.constant 0 : i32
      %dma_wait3A_449 = tpu.memref_slice %arg11[%dma_wait3A_442, %dma_wait3A_448] : memref<4x200xi32, #tpu.memory_space<vmem>> -> memref<1x104xi32, #tpu.memory_space<vmem>>
      %dma_wait3A_450 = tpu.memref_squeeze %dma_wait3A_449 : memref<1x104xi32, #tpu.memory_space<vmem>> -> memref<104xi32, #tpu.memory_space<vmem>>
      %dma_wait3A_451 = arith.constant 0 : i32
      %dma_wait3A_452 = arith.constant 0 : i32
      %dma_wait3A_453 = tpu.memref_slice %arg5[%dma_wait3A_451, %dma_wait3A_452] : memref<100000x32xf32, #tpu.memory_space<hbm>> -> memref<100000x32xf32, #tpu.memory_space<hbm>>
      tpu.wait_indirect_dma semaphore(%arg17 : memref<!tpu.dma_semaphore, #tpu.memory_space<semaphore_mem>>) src(%dma_wait3A_453 : memref<100000x32xf32, #tpu.memory_space<hbm>>) dst(%dma_wait3A_447 : memref<104x32xf32, #tpu.memory_space<vmem>>)
      %dma_wait3A_454 = arith.constant 2 : i32
      %dma_wait3A_455 = arith.constant 2 : i32
      %dma_wait3A_456 = arith.constant 0 : i32
      %dma_wait3A_457 = arith.constant 0 : i32
      %dma_wait3A_458 = tpu.memref_slice %arg15[%dma_wait3A_455, %dma_wait3A_456, %dma_wait3A_457] : memref<4x200x32xf32, #tpu.memory_space<vmem>> -> memref<1x104x32xf32, #tpu.memory_space<vmem>>
      %dma_wait3A_459 = tpu.memref_squeeze %dma_wait3A_458 : memref<1x104x32xf32, #tpu.memory_space<vmem>> -> memref<104x32xf32, #tpu.memory_space<vmem>>
      %dma_wait3A_460 = arith.constant 0 : i32
      %dma_wait3A_461 = tpu.memref_slice %arg12[%dma_wait3A_454, %dma_wait3A_460] : memref<4x200xi32, #tpu.memory_space<vmem>> -> memref<1x104xi32, #tpu.memory_space<vmem>>
      %dma_wait3A_462 = tpu.memref_squeeze %dma_wait3A_461 : memref<1x104xi32, #tpu.memory_space<vmem>> -> memref<104xi32, #tpu.memory_space<vmem>>
      %dma_wait3A_463 = arith.constant 0 : i32
      %dma_wait3A_464 = arith.constant 0 : i32
      %dma_wait3A_465 = tpu.memref_slice %arg6[%dma_wait3A_463, %dma_wait3A_464] : memref<1000000x32xf32, #tpu.memory_space<hbm>> -> memref<1000000x32xf32, #tpu.memory_space<hbm>>
      tpu.wait_indirect_dma semaphore(%arg17 : memref<!tpu.dma_semaphore, #tpu.memory_space<semaphore_mem>>) src(%dma_wait3A_465 : memref<1000000x32xf32, #tpu.memory_space<hbm>>) dst(%dma_wait3A_459 : memref<104x32xf32, #tpu.memory_space<vmem>>)
      %dma_wait3A_466 = arith.constant 2 : i32
      %dma_wait3A_467 = arith.constant 2 : i32
      %dma_wait3A_468 = arith.constant 0 : i32
      %dma_wait3A_469 = arith.constant 0 : i32
      %dma_wait3A_470 = tpu.memref_slice %arg16[%dma_wait3A_467, %dma_wait3A_468, %dma_wait3A_469] : memref<4x200x32xf32, #tpu.memory_space<vmem>> -> memref<1x104x32xf32, #tpu.memory_space<vmem>>
      %dma_wait3A_471 = tpu.memref_squeeze %dma_wait3A_470 : memref<1x104x32xf32, #tpu.memory_space<vmem>> -> memref<104x32xf32, #tpu.memory_space<vmem>>
      %dma_wait3A_472 = arith.constant 0 : i32
      %dma_wait3A_473 = tpu.memref_slice %arg13[%dma_wait3A_466, %dma_wait3A_472] : memref<4x200xi32, #tpu.memory_space<vmem>> -> memref<1x104xi32, #tpu.memory_space<vmem>>
      %dma_wait3A_474 = tpu.memref_squeeze %dma_wait3A_473 : memref<1x104xi32, #tpu.memory_space<vmem>> -> memref<104xi32, #tpu.memory_space<vmem>>
      %dma_wait3A_475 = arith.constant 0 : i32
      %dma_wait3A_476 = arith.constant 0 : i32
      %dma_wait3A_477 = tpu.memref_slice %arg7[%dma_wait3A_475, %dma_wait3A_476] : memref<1000000x32xf32, #tpu.memory_space<hbm>> -> memref<1000000x32xf32, #tpu.memory_space<hbm>>
      tpu.wait_indirect_dma semaphore(%arg17 : memref<!tpu.dma_semaphore, #tpu.memory_space<semaphore_mem>>) src(%dma_wait3A_477 : memref<1000000x32xf32, #tpu.memory_space<hbm>>) dst(%dma_wait3A_471 : memref<104x32xf32, #tpu.memory_space<vmem>>)
      %dma_wait3A_478 = arith.constant 2 : i32
      %dma_wait3A_479 = arith.constant 2 : i32
      %dma_wait3A_480 = arith.constant 104 : i32
      %dma_wait3A_481 = arith.constant 0 : i32
      %dma_wait3A_482 = tpu.memref_slice %arg14[%dma_wait3A_479, %dma_wait3A_480, %dma_wait3A_481] : memref<4x200x32xf32, #tpu.memory_space<vmem>> -> memref<1x96x32xf32, #tpu.memory_space<vmem>>
      %dma_wait3A_483 = tpu.memref_squeeze %dma_wait3A_482 : memref<1x96x32xf32, #tpu.memory_space<vmem>> -> memref<96x32xf32, #tpu.memory_space<vmem>>
      %dma_wait3A_484 = arith.constant 104 : i32
      %dma_wait3A_485 = tpu.memref_slice %arg11[%dma_wait3A_478, %dma_wait3A_484] : memref<4x200xi32, #tpu.memory_space<vmem>> -> memref<1x96xi32, #tpu.memory_space<vmem>>
      %dma_wait3A_486 = tpu.memref_squeeze %dma_wait3A_485 : memref<1x96xi32, #tpu.memory_space<vmem>> -> memref<96xi32, #tpu.memory_space<vmem>>
      %dma_wait3A_487 = arith.constant 0 : i32
      %dma_wait3A_488 = arith.constant 0 : i32
      %dma_wait3A_489 = tpu.memref_slice %arg5[%dma_wait3A_487, %dma_wait3A_488] : memref<100000x32xf32, #tpu.memory_space<hbm>> -> memref<100000x32xf32, #tpu.memory_space<hbm>>
      tpu.wait_indirect_dma semaphore(%arg17 : memref<!tpu.dma_semaphore, #tpu.memory_space<semaphore_mem>>) src(%dma_wait3A_489 : memref<100000x32xf32, #tpu.memory_space<hbm>>) dst(%dma_wait3A_483 : memref<96x32xf32, #tpu.memory_space<vmem>>)
      %dma_wait3A_490 = arith.constant 2 : i32
      %dma_wait3A_491 = arith.constant 2 : i32
      %dma_wait3A_492 = arith.constant 104 : i32
      %dma_wait3A_493 = arith.constant 0 : i32
      %dma_wait3A_494 = tpu.memref_slice %arg15[%dma_wait3A_491, %dma_wait3A_492, %dma_wait3A_493] : memref<4x200x32xf32, #tpu.memory_space<vmem>> -> memref<1x96x32xf32, #tpu.memory_space<vmem>>
      %dma_wait3A_495 = tpu.memref_squeeze %dma_wait3A_494 : memref<1x96x32xf32, #tpu.memory_space<vmem>> -> memref<96x32xf32, #tpu.memory_space<vmem>>
      %dma_wait3A_496 = arith.constant 104 : i32
      %dma_wait3A_497 = tpu.memref_slice %arg12[%dma_wait3A_490, %dma_wait3A_496] : memref<4x200xi32, #tpu.memory_space<vmem>> -> memref<1x96xi32, #tpu.memory_space<vmem>>
      %dma_wait3A_498 = tpu.memref_squeeze %dma_wait3A_497 : memref<1x96xi32, #tpu.memory_space<vmem>> -> memref<96xi32, #tpu.memory_space<vmem>>
      %dma_wait3A_499 = arith.constant 0 : i32
      %dma_wait3A_500 = arith.constant 0 : i32
      %dma_wait3A_501 = tpu.memref_slice %arg6[%dma_wait3A_499, %dma_wait3A_500] : memref<1000000x32xf32, #tpu.memory_space<hbm>> -> memref<1000000x32xf32, #tpu.memory_space<hbm>>
      tpu.wait_indirect_dma semaphore(%arg17 : memref<!tpu.dma_semaphore, #tpu.memory_space<semaphore_mem>>) src(%dma_wait3A_501 : memref<1000000x32xf32, #tpu.memory_space<hbm>>) dst(%dma_wait3A_495 : memref<96x32xf32, #tpu.memory_space<vmem>>)
      %dma_wait3A_502 = arith.constant 2 : i32
      %dma_wait3A_503 = arith.constant 2 : i32
      %dma_wait3A_504 = arith.constant 104 : i32
      %dma_wait3A_505 = arith.constant 0 : i32
      %dma_wait3A_506 = tpu.memref_slice %arg16[%dma_wait3A_503, %dma_wait3A_504, %dma_wait3A_505] : memref<4x200x32xf32, #tpu.memory_space<vmem>> -> memref<1x96x32xf32, #tpu.memory_space<vmem>>
      %dma_wait3A_507 = tpu.memref_squeeze %dma_wait3A_506 : memref<1x96x32xf32, #tpu.memory_space<vmem>> -> memref<96x32xf32, #tpu.memory_space<vmem>>
      %dma_wait3A_508 = arith.constant 104 : i32
      %dma_wait3A_509 = tpu.memref_slice %arg13[%dma_wait3A_502, %dma_wait3A_508] : memref<4x200xi32, #tpu.memory_space<vmem>> -> memref<1x96xi32, #tpu.memory_space<vmem>>
      %dma_wait3A_510 = tpu.memref_squeeze %dma_wait3A_509 : memref<1x96xi32, #tpu.memory_space<vmem>> -> memref<96xi32, #tpu.memory_space<vmem>>
      %dma_wait3A_511 = arith.constant 0 : i32
      %dma_wait3A_512 = arith.constant 0 : i32
      %dma_wait3A_513 = tpu.memref_slice %arg7[%dma_wait3A_511, %dma_wait3A_512] : memref<1000000x32xf32, #tpu.memory_space<hbm>> -> memref<1000000x32xf32, #tpu.memory_space<hbm>>
      tpu.wait_indirect_dma semaphore(%arg17 : memref<!tpu.dma_semaphore, #tpu.memory_space<semaphore_mem>>) src(%dma_wait3A_513 : memref<1000000x32xf32, #tpu.memory_space<hbm>>) dst(%dma_wait3A_507 : memref<96x32xf32, #tpu.memory_space<vmem>>)
      %dma_wait3A_514 = arith.constant 3 : i32
      %dma_wait3A_515 = arith.constant 3 : i32
      %dma_wait3A_516 = arith.constant 0 : i32
      %dma_wait3A_517 = arith.constant 0 : i32
      %dma_wait3A_518 = tpu.memref_slice %arg14[%dma_wait3A_515, %dma_wait3A_516, %dma_wait3A_517] : memref<4x200x32xf32, #tpu.memory_space<vmem>> -> memref<1x104x32xf32, #tpu.memory_space<vmem>>
      %dma_wait3A_519 = tpu.memref_squeeze %dma_wait3A_518 : memref<1x104x32xf32, #tpu.memory_space<vmem>> -> memref<104x32xf32, #tpu.memory_space<vmem>>
      %dma_wait3A_520 = arith.constant 0 : i32
      %dma_wait3A_521 = tpu.memref_slice %arg11[%dma_wait3A_514, %dma_wait3A_520] : memref<4x200xi32, #tpu.memory_space<vmem>> -> memref<1x104xi32, #tpu.memory_space<vmem>>
      %dma_wait3A_522 = tpu.memref_squeeze %dma_wait3A_521 : memref<1x104xi32, #tpu.memory_space<vmem>> -> memref<104xi32, #tpu.memory_space<vmem>>
      %dma_wait3A_523 = arith.constant 0 : i32
      %dma_wait3A_524 = arith.constant 0 : i32
      %dma_wait3A_525 = tpu.memref_slice %arg5[%dma_wait3A_523, %dma_wait3A_524] : memref<100000x32xf32, #tpu.memory_space<hbm>> -> memref<100000x32xf32, #tpu.memory_space<hbm>>
      tpu.wait_indirect_dma semaphore(%arg17 : memref<!tpu.dma_semaphore, #tpu.memory_space<semaphore_mem>>) src(%dma_wait3A_525 : memref<100000x32xf32, #tpu.memory_space<hbm>>) dst(%dma_wait3A_519 : memref<104x32xf32, #tpu.memory_space<vmem>>)
      %dma_wait3A_526 = arith.constant 3 : i32
      %dma_wait3A_527 = arith.constant 3 : i32
      %dma_wait3A_528 = arith.constant 0 : i32
      %dma_wait3A_529 = arith.constant 0 : i32
      %dma_wait3A_530 = tpu.memref_slice %arg15[%dma_wait3A_527, %dma_wait3A_528, %dma_wait3A_529] : memref<4x200x32xf32, #tpu.memory_space<vmem>> -> memref<1x104x32xf32, #tpu.memory_space<vmem>>
      %dma_wait3A_531 = tpu.memref_squeeze %dma_wait3A_530 : memref<1x104x32xf32, #tpu.memory_space<vmem>> -> memref<104x32xf32, #tpu.memory_space<vmem>>
      %dma_wait3A_532 = arith.constant 0 : i32
      %dma_wait3A_533 = tpu.memref_slice %arg12[%dma_wait3A_526, %dma_wait3A_532] : memref<4x200xi32, #tpu.memory_space<vmem>> -> memref<1x104xi32, #tpu.memory_space<vmem>>
      %dma_wait3A_534 = tpu.memref_squeeze %dma_wait3A_533 : memref<1x104xi32, #tpu.memory_space<vmem>> -> memref<104xi32, #tpu.memory_space<vmem>>
      %dma_wait3A_535 = arith.constant 0 : i32
      %dma_wait3A_536 = arith.constant 0 : i32
      %dma_wait3A_537 = tpu.memref_slice %arg6[%dma_wait3A_535, %dma_wait3A_536] : memref<1000000x32xf32, #tpu.memory_space<hbm>> -> memref<1000000x32xf32, #tpu.memory_space<hbm>>
      tpu.wait_indirect_dma semaphore(%arg17 : memref<!tpu.dma_semaphore, #tpu.memory_space<semaphore_mem>>) src(%dma_wait3A_537 : memref<1000000x32xf32, #tpu.memory_space<hbm>>) dst(%dma_wait3A_531 : memref<104x32xf32, #tpu.memory_space<vmem>>)
      %dma_wait3A_538 = arith.constant 3 : i32
      %dma_wait3A_539 = arith.constant 3 : i32
      %dma_wait3A_540 = arith.constant 0 : i32
      %dma_wait3A_541 = arith.constant 0 : i32
      %dma_wait3A_542 = tpu.memref_slice %arg16[%dma_wait3A_539, %dma_wait3A_540, %dma_wait3A_541] : memref<4x200x32xf32, #tpu.memory_space<vmem>> -> memref<1x104x32xf32, #tpu.memory_space<vmem>>
      %dma_wait3A_543 = tpu.memref_squeeze %dma_wait3A_542 : memref<1x104x32xf32, #tpu.memory_space<vmem>> -> memref<104x32xf32, #tpu.memory_space<vmem>>
      %dma_wait3A_544 = arith.constant 0 : i32
      %dma_wait3A_545 = tpu.memref_slice %arg13[%dma_wait3A_538, %dma_wait3A_544] : memref<4x200xi32, #tpu.memory_space<vmem>> -> memref<1x104xi32, #tpu.memory_space<vmem>>
      %dma_wait3A_546 = tpu.memref_squeeze %dma_wait3A_545 : memref<1x104xi32, #tpu.memory_space<vmem>> -> memref<104xi32, #tpu.memory_space<vmem>>
      %dma_wait3A_547 = arith.constant 0 : i32
      %dma_wait3A_548 = arith.constant 0 : i32
      %dma_wait3A_549 = tpu.memref_slice %arg7[%dma_wait3A_547, %dma_wait3A_548] : memref<1000000x32xf32, #tpu.memory_space<hbm>> -> memref<1000000x32xf32, #tpu.memory_space<hbm>>
      tpu.wait_indirect_dma semaphore(%arg17 : memref<!tpu.dma_semaphore, #tpu.memory_space<semaphore_mem>>) src(%dma_wait3A_549 : memref<1000000x32xf32, #tpu.memory_space<hbm>>) dst(%dma_wait3A_543 : memref<104x32xf32, #tpu.memory_space<vmem>>)
      %dma_wait3A_550 = arith.constant 3 : i32
      %dma_wait3A_551 = arith.constant 3 : i32
      %dma_wait3A_552 = arith.constant 104 : i32
      %dma_wait3A_553 = arith.constant 0 : i32
      %dma_wait3A_554 = tpu.memref_slice %arg14[%dma_wait3A_551, %dma_wait3A_552, %dma_wait3A_553] : memref<4x200x32xf32, #tpu.memory_space<vmem>> -> memref<1x96x32xf32, #tpu.memory_space<vmem>>
      %dma_wait3A_555 = tpu.memref_squeeze %dma_wait3A_554 : memref<1x96x32xf32, #tpu.memory_space<vmem>> -> memref<96x32xf32, #tpu.memory_space<vmem>>
      %dma_wait3A_556 = arith.constant 104 : i32
      %dma_wait3A_557 = tpu.memref_slice %arg11[%dma_wait3A_550, %dma_wait3A_556] : memref<4x200xi32, #tpu.memory_space<vmem>> -> memref<1x96xi32, #tpu.memory_space<vmem>>
      %dma_wait3A_558 = tpu.memref_squeeze %dma_wait3A_557 : memref<1x96xi32, #tpu.memory_space<vmem>> -> memref<96xi32, #tpu.memory_space<vmem>>
      %dma_wait3A_559 = arith.constant 0 : i32
      %dma_wait3A_560 = arith.constant 0 : i32
      %dma_wait3A_561 = tpu.memref_slice %arg5[%dma_wait3A_559, %dma_wait3A_560] : memref<100000x32xf32, #tpu.memory_space<hbm>> -> memref<100000x32xf32, #tpu.memory_space<hbm>>
      tpu.wait_indirect_dma semaphore(%arg17 : memref<!tpu.dma_semaphore, #tpu.memory_space<semaphore_mem>>) src(%dma_wait3A_561 : memref<100000x32xf32, #tpu.memory_space<hbm>>) dst(%dma_wait3A_555 : memref<96x32xf32, #tpu.memory_space<vmem>>)
      %dma_wait3A_562 = arith.constant 3 : i32
      %dma_wait3A_563 = arith.constant 3 : i32
      %dma_wait3A_564 = arith.constant 104 : i32
      %dma_wait3A_565 = arith.constant 0 : i32
      %dma_wait3A_566 = tpu.memref_slice %arg15[%dma_wait3A_563, %dma_wait3A_564, %dma_wait3A_565] : memref<4x200x32xf32, #tpu.memory_space<vmem>> -> memref<1x96x32xf32, #tpu.memory_space<vmem>>
      %dma_wait3A_567 = tpu.memref_squeeze %dma_wait3A_566 : memref<1x96x32xf32, #tpu.memory_space<vmem>> -> memref<96x32xf32, #tpu.memory_space<vmem>>
      %dma_wait3A_568 = arith.constant 104 : i32
      %dma_wait3A_569 = tpu.memref_slice %arg12[%dma_wait3A_562, %dma_wait3A_568] : memref<4x200xi32, #tpu.memory_space<vmem>> -> memref<1x96xi32, #tpu.memory_space<vmem>>
      %dma_wait3A_570 = tpu.memref_squeeze %dma_wait3A_569 : memref<1x96xi32, #tpu.memory_space<vmem>> -> memref<96xi32, #tpu.memory_space<vmem>>
      %dma_wait3A_571 = arith.constant 0 : i32
      %dma_wait3A_572 = arith.constant 0 : i32
      %dma_wait3A_573 = tpu.memref_slice %arg6[%dma_wait3A_571, %dma_wait3A_572] : memref<1000000x32xf32, #tpu.memory_space<hbm>> -> memref<1000000x32xf32, #tpu.memory_space<hbm>>
      tpu.wait_indirect_dma semaphore(%arg17 : memref<!tpu.dma_semaphore, #tpu.memory_space<semaphore_mem>>) src(%dma_wait3A_573 : memref<1000000x32xf32, #tpu.memory_space<hbm>>) dst(%dma_wait3A_567 : memref<96x32xf32, #tpu.memory_space<vmem>>)
      %dma_wait3A_574 = arith.constant 3 : i32
      %dma_wait3A_575 = arith.constant 3 : i32
      %dma_wait3A_576 = arith.constant 104 : i32
      %dma_wait3A_577 = arith.constant 0 : i32
      %dma_wait3A_578 = tpu.memref_slice %arg16[%dma_wait3A_575, %dma_wait3A_576, %dma_wait3A_577] : memref<4x200x32xf32, #tpu.memory_space<vmem>> -> memref<1x96x32xf32, #tpu.memory_space<vmem>>
      %dma_wait3A_579 = tpu.memref_squeeze %dma_wait3A_578 : memref<1x96x32xf32, #tpu.memory_space<vmem>> -> memref<96x32xf32, #tpu.memory_space<vmem>>
      %dma_wait3A_580 = arith.constant 104 : i32
      %dma_wait3A_581 = tpu.memref_slice %arg13[%dma_wait3A_574, %dma_wait3A_580] : memref<4x200xi32, #tpu.memory_space<vmem>> -> memref<1x96xi32, #tpu.memory_space<vmem>>
      %dma_wait3A_582 = tpu.memref_squeeze %dma_wait3A_581 : memref<1x96xi32, #tpu.memory_space<vmem>> -> memref<96xi32, #tpu.memory_space<vmem>>
      %dma_wait3A_583 = arith.constant 0 : i32
      %dma_wait3A_584 = arith.constant 0 : i32
      %dma_wait3A_585 = tpu.memref_slice %arg7[%dma_wait3A_583, %dma_wait3A_584] : memref<1000000x32xf32, #tpu.memory_space<hbm>> -> memref<1000000x32xf32, #tpu.memory_space<hbm>>
      tpu.wait_indirect_dma semaphore(%arg17 : memref<!tpu.dma_semaphore, #tpu.memory_space<semaphore_mem>>) src(%dma_wait3A_585 : memref<1000000x32xf32, #tpu.memory_space<hbm>>) dst(%dma_wait3A_579 : memref<96x32xf32, #tpu.memory_space<vmem>>)
      "tpu.region"() ({
        %run_scoped3A = tpu.sem_alloc : memref<!tpu.dma_semaphore, #tpu.memory_space<semaphore_mem>>
        %dma_start3A_586 = arith.constant 0 : i32
        %dma_start3A_587 = arith.constant 0 : i32
        %dma_start3A_588 = tpu.memref_slice %arg8[%add3A_11, %dma_start3A_586, %dma_start3A_587] : memref<1024x200x32xf32, #tpu.memory_space<hbm>> -> memref<4x200x32xf32, #tpu.memory_space<hbm>>
        %dma_start3A_589 = arith.constant 0 : i32
        %dma_start3A_590 = arith.constant 0 : i32
        %dma_start3A_591 = tpu.memref_slice %arg8[%add3A_11, %dma_start3A_589, %dma_start3A_590] : memref<1024x200x32xf32, #tpu.memory_space<hbm>> -> memref<4x200x32xf32, #tpu.memory_space<hbm>>
        tpu.enqueue_dma source(%arg14 : memref<4x200x32xf32, #tpu.memory_space<vmem>>) target(%dma_start3A_591 : memref<4x200x32xf32, #tpu.memory_space<hbm>>) target_semaphore(%run_scoped3A : memref<!tpu.dma_semaphore, #tpu.memory_space<semaphore_mem>>)
        %dma_wait3A_592 = arith.constant 0 : i32
        %dma_wait3A_593 = arith.constant 0 : i32
        %dma_wait3A_594 = tpu.memref_slice %arg8[%add3A_11, %dma_wait3A_592, %dma_wait3A_593] : memref<1024x200x32xf32, #tpu.memory_space<hbm>> -> memref<4x200x32xf32, #tpu.memory_space<hbm>>
        %dma_wait3A_595 = arith.constant 0 : i32
        %dma_wait3A_596 = arith.constant 0 : i32
        %dma_wait3A_597 = tpu.memref_slice %arg8[%add3A_11, %dma_wait3A_595, %dma_wait3A_596] : memref<1024x200x32xf32, #tpu.memory_space<hbm>> -> memref<4x200x32xf32, #tpu.memory_space<hbm>>
        tpu.wait_dma2 semaphore(%run_scoped3A : memref<!tpu.dma_semaphore, #tpu.memory_space<semaphore_mem>>) src(%arg14 : memref<4x200x32xf32, #tpu.memory_space<vmem>>) dst(%dma_wait3A_597 : memref<4x200x32xf32, #tpu.memory_space<hbm>>)
        tpu.yield
      }) : () -> ()
      "tpu.region"() ({
        %run_scoped3A = tpu.sem_alloc : memref<!tpu.dma_semaphore, #tpu.memory_space<semaphore_mem>>
        %dma_start3A_586 = arith.constant 0 : i32
        %dma_start3A_587 = arith.constant 0 : i32
        %dma_start3A_588 = tpu.memref_slice %arg9[%add3A_11, %dma_start3A_586, %dma_start3A_587] : memref<1024x200x32xf32, #tpu.memory_space<hbm>> -> memref<4x200x32xf32, #tpu.memory_space<hbm>>
        %dma_start3A_589 = arith.constant 0 : i32
        %dma_start3A_590 = arith.constant 0 : i32
        %dma_start3A_591 = tpu.memref_slice %arg9[%add3A_11, %dma_start3A_589, %dma_start3A_590] : memref<1024x200x32xf32, #tpu.memory_space<hbm>> -> memref<4x200x32xf32, #tpu.memory_space<hbm>>
        tpu.enqueue_dma source(%arg15 : memref<4x200x32xf32, #tpu.memory_space<vmem>>) target(%dma_start3A_591 : memref<4x200x32xf32, #tpu.memory_space<hbm>>) target_semaphore(%run_scoped3A : memref<!tpu.dma_semaphore, #tpu.memory_space<semaphore_mem>>)
        %dma_wait3A_592 = arith.constant 0 : i32
        %dma_wait3A_593 = arith.constant 0 : i32
        %dma_wait3A_594 = tpu.memref_slice %arg9[%add3A_11, %dma_wait3A_592, %dma_wait3A_593] : memref<1024x200x32xf32, #tpu.memory_space<hbm>> -> memref<4x200x32xf32, #tpu.memory_space<hbm>>
        %dma_wait3A_595 = arith.constant 0 : i32
        %dma_wait3A_596 = arith.constant 0 : i32
        %dma_wait3A_597 = tpu.memref_slice %arg9[%add3A_11, %dma_wait3A_595, %dma_wait3A_596] : memref<1024x200x32xf32, #tpu.memory_space<hbm>> -> memref<4x200x32xf32, #tpu.memory_space<hbm>>
        tpu.wait_dma2 semaphore(%run_scoped3A : memref<!tpu.dma_semaphore, #tpu.memory_space<semaphore_mem>>) src(%arg15 : memref<4x200x32xf32, #tpu.memory_space<vmem>>) dst(%dma_wait3A_597 : memref<4x200x32xf32, #tpu.memory_space<hbm>>)
        tpu.yield
      }) : () -> ()
      "tpu.region"() ({
        %run_scoped3A = tpu.sem_alloc : memref<!tpu.dma_semaphore, #tpu.memory_space<semaphore_mem>>
        %dma_start3A_586 = arith.constant 0 : i32
        %dma_start3A_587 = arith.constant 0 : i32
        %dma_start3A_588 = tpu.memref_slice %arg10[%add3A_11, %dma_start3A_586, %dma_start3A_587] : memref<1024x200x32xf32, #tpu.memory_space<hbm>> -> memref<4x200x32xf32, #tpu.memory_space<hbm>>
        %dma_start3A_589 = arith.constant 0 : i32
        %dma_start3A_590 = arith.constant 0 : i32
        %dma_start3A_591 = tpu.memref_slice %arg10[%add3A_11, %dma_start3A_589, %dma_start3A_590] : memref<1024x200x32xf32, #tpu.memory_space<hbm>> -> memref<4x200x32xf32, #tpu.memory_space<hbm>>
        tpu.enqueue_dma source(%arg16 : memref<4x200x32xf32, #tpu.memory_space<vmem>>) target(%dma_start3A_591 : memref<4x200x32xf32, #tpu.memory_space<hbm>>) target_semaphore(%run_scoped3A : memref<!tpu.dma_semaphore, #tpu.memory_space<semaphore_mem>>)
        %dma_wait3A_592 = arith.constant 0 : i32
        %dma_wait3A_593 = arith.constant 0 : i32
        %dma_wait3A_594 = tpu.memref_slice %arg10[%add3A_11, %dma_wait3A_592, %dma_wait3A_593] : memref<1024x200x32xf32, #tpu.memory_space<hbm>> -> memref<4x200x32xf32, #tpu.memory_space<hbm>>
        %dma_wait3A_595 = arith.constant 0 : i32
        %dma_wait3A_596 = arith.constant 0 : i32
        %dma_wait3A_597 = tpu.memref_slice %arg10[%add3A_11, %dma_wait3A_595, %dma_wait3A_596] : memref<1024x200x32xf32, #tpu.memory_space<hbm>> -> memref<4x200x32xf32, #tpu.memory_space<hbm>>
        tpu.wait_dma2 semaphore(%run_scoped3A : memref<!tpu.dma_semaphore, #tpu.memory_space<semaphore_mem>>) src(%arg16 : memref<4x200x32xf32, #tpu.memory_space<vmem>>) dst(%dma_wait3A_597 : memref<4x200x32xf32, #tpu.memory_space<hbm>>)
        tpu.yield
      }) : () -> ()
    }
    %scan3A_7 = arith.constant 8 : i32
    return
  }
}

module attributes {stable_mosaic.version = 14 : i64} {
  func.func @_fuse_body(%arg0: i32, %arg1: memref<512x128xf32, #tpu.memory_space<vmem>>, %arg2: memref<512x128xf32, #tpu.memory_space<vmem>>, %arg3: memref<512x128xf32, #tpu.memory_space<vmem>>, %arg4: memref<128x128xf32, #tpu.memory_space<vmem>>, %arg5: memref<128x128xf32, #tpu.memory_space<vmem>>, %arg6: memref<128x128xf32, #tpu.memory_space<vmem>>, %arg7: memref<128x128xf32, #tpu.memory_space<vmem>>, %arg8: memref<1x128xf32, #tpu.memory_space<vmem>>, %arg9: memref<3x128xf32, #tpu.memory_space<vmem>>, %arg10: memref<3xf32, #tpu.memory_space<smem>>, %arg11: memref<1x128xf32, #tpu.memory_space<vmem>>, %arg12: memref<1x128xf32, #tpu.memory_space<vmem>>, %arg13: memref<512x128xf32, #tpu.memory_space<vmem>>) attributes {dimension_semantics = [#tpu.dimension_semantics<arbitrary>], iteration_bounds = array<i64: 100>, scalar_prefetch = 0 : i64, scratch_operands = 0 : i64, tpu.core_type = #tpu.core_type<tc>, window_params = [{transform_indices = @transform_0, window_bounds = array<i64: 512, 128>}, {transform_indices = @transform_1, window_bounds = array<i64: 512, 128>}, {transform_indices = @transform_2, window_bounds = array<i64: 512, 128>}, {pipeline_mode = #tpu.pipeline_mode<synchronous>, transform_indices = @transform_3, window_bounds = array<i64: 128, 128>}, {pipeline_mode = #tpu.pipeline_mode<synchronous>, transform_indices = @transform_4, window_bounds = array<i64: 128, 128>}, {pipeline_mode = #tpu.pipeline_mode<synchronous>, transform_indices = @transform_5, window_bounds = array<i64: 128, 128>}, {pipeline_mode = #tpu.pipeline_mode<synchronous>, transform_indices = @transform_6, window_bounds = array<i64: 128, 128>}, {pipeline_mode = #tpu.pipeline_mode<synchronous>, transform_indices = @transform_7, window_bounds = array<i64: 1, 128>}, {pipeline_mode = #tpu.pipeline_mode<synchronous>, transform_indices = @transform_8, window_bounds = array<i64: 3, 128>}, {transform_indices = @transform_9, window_bounds = array<i64: 3>}, {pipeline_mode = #tpu.pipeline_mode<synchronous>, transform_indices = @transform_10, window_bounds = array<i64: 1, 128>}, {pipeline_mode = #tpu.pipeline_mode<synchronous>, transform_indices = @transform_11, window_bounds = array<i64: 1, 128>}, {transform_indices = @transform_12, window_bounds = array<i64: 512, 128>}]} {
    %get3A = arith.constant 0 : index
    %get3A_0 = arith.constant 0 : index
    %get3A_1 = vector.load %arg1[%get3A, %get3A_0] : memref<512x128xf32, #tpu.memory_space<vmem>>, vector<512x128xf32>
    %get3A_2 = arith.constant 0 : index
    %get3A_3 = arith.constant 0 : index
    %get3A_4 = vector.load %arg2[%get3A_2, %get3A_3] : memref<512x128xf32, #tpu.memory_space<vmem>>, vector<512x128xf32>
    %get3A_5 = arith.constant 0 : index
    %get3A_6 = arith.constant 0 : index
    %get3A_7 = vector.load %arg3[%get3A_5, %get3A_6] : memref<512x128xf32, #tpu.memory_space<vmem>>, vector<512x128xf32>
    %get3A_8 = arith.constant 0 : index
    %get3A_9 = arith.constant 0 : index
    %get3A_10 = vector.load %arg7[%get3A_8, %get3A_9] : memref<128x128xf32, #tpu.memory_space<vmem>>, vector<128x128xf32>
    %get3A_11 = arith.constant 0 : index
    %get3A_12 = arith.constant 0 : index
    %get3A_13 = vector.load %arg4[%get3A_11, %get3A_12] : memref<128x128xf32, #tpu.memory_space<vmem>>, vector<128x128xf32>
    %dot_general3A = arith.constant dense<0.000000e+00> : vector<512x128xf32>
    %dot_general3A_14 = tpu.matmul %get3A_1, %get3A_13, %dot_general3A {dimension_numbers = #tpu.dot_dimension_numbers<[1], [0], [0], [1], [0, 0, 1, 1], [], []>, transpose_lhs_hint = false} : vector<512x128xf32>, vector<128x128xf32>, vector<512x128xf32> -> vector<512x128xf32>
    %get3A_15 = arith.constant 0 : index
    %get3A_16 = arith.constant 0 : index
    %get3A_17 = vector.load %arg5[%get3A_15, %get3A_16] : memref<128x128xf32, #tpu.memory_space<vmem>>, vector<128x128xf32>
    %dot_general3A_18 = arith.constant dense<0.000000e+00> : vector<512x128xf32>
    %dot_general3A_19 = tpu.matmul %get3A_4, %get3A_17, %dot_general3A_18 {dimension_numbers = #tpu.dot_dimension_numbers<[1], [0], [0], [1], [0, 0, 1, 1], [], []>, transpose_lhs_hint = false} : vector<512x128xf32>, vector<128x128xf32>, vector<512x128xf32> -> vector<512x128xf32>
    %add3A = arith.addf %dot_general3A_14, %dot_general3A_19 : vector<512x128xf32>
    %get3A_20 = arith.constant 0 : index
    %get3A_21 = arith.constant 0 : index
    %get3A_22 = vector.load %arg6[%get3A_20, %get3A_21] : memref<128x128xf32, #tpu.memory_space<vmem>>, vector<128x128xf32>
    %dot_general3A_23 = arith.constant dense<0.000000e+00> : vector<512x128xf32>
    %dot_general3A_24 = tpu.matmul %get3A_7, %get3A_22, %dot_general3A_23 {dimension_numbers = #tpu.dot_dimension_numbers<[1], [0], [0], [1], [0, 0, 1, 1], [], []>, transpose_lhs_hint = false} : vector<512x128xf32>, vector<128x128xf32>, vector<512x128xf32> -> vector<512x128xf32>
    %add3A_25 = arith.addf %add3A, %dot_general3A_24 : vector<512x128xf32>
    %get3A_26 = arith.constant 0 : index
    %get3A_27 = arith.constant 0 : index
    %get3A_28 = vector.load %arg8[%get3A_26, %get3A_27] : memref<1x128xf32, #tpu.memory_space<vmem>>, vector<1x128xf32>
    %add3A_29 = vector.broadcast %get3A_28 : vector<1x128xf32> to vector<512x128xf32>
    %add3A_30 = arith.addf %add3A_25, %add3A_29 : vector<512x128xf32>
    %mul3A = arith.constant 5.000000e-01 : f32
    %mul3A_31 = vector.broadcast %mul3A : f32 to vector<512x128xf32>
    %mul3A_32 = arith.mulf %mul3A_31, %add3A_30 : vector<512x128xf32>
    %mul3A_33 = arith.constant 0.707106769 : f32
    %mul3A_34 = vector.broadcast %mul3A_33 : f32 to vector<512x128xf32>
    %mul3A_35 = arith.mulf %add3A_30, %mul3A_34 : vector<512x128xf32>
    %erf3A = math.erf %mul3A_35 : vector<512x128xf32>
    %add3A_36 = arith.constant 1.000000e+00 : f32
    %add3A_37 = vector.broadcast %add3A_36 : f32 to vector<512x128xf32>
    %add3A_38 = arith.addf %add3A_37, %erf3A : vector<512x128xf32>
    %mul3A_39 = arith.mulf %mul3A_32, %add3A_38 : vector<512x128xf32>
    %get3A_40 = arith.constant 0 : index
    %get3A_41 = arith.constant 0 : index
    %get3A_42 = vector.load %arg9[%get3A_40, %get3A_41] : memref<3x128xf32, #tpu.memory_space<vmem>>, vector<1x128xf32>
    %mul3A_43 = vector.broadcast %get3A_42 : vector<1x128xf32> to vector<512x128xf32>
    %mul3A_44 = arith.mulf %mul3A_39, %mul3A_43 : vector<512x128xf32>
    %dot_general3A_45 = arith.constant dense<0.000000e+00> : vector<512x128xf32>
    %dot_general3A_46 = tpu.matmul %mul3A_44, %get3A_10, %dot_general3A_45 {dimension_numbers = #tpu.dot_dimension_numbers<[1], [0], [0], [1], [0, 0, 1, 1], [], []>, transpose_lhs_hint = false} : vector<512x128xf32>, vector<128x128xf32>, vector<512x128xf32> -> vector<512x128xf32>
    %get3A_47 = arith.constant 0 : index
    %get3A_48 = memref.load %arg10[%get3A_47] : memref<3xf32, #tpu.memory_space<smem>>
    %add3A_49 = vector.broadcast %get3A_48 : f32 to vector<512x128xf32>
    %add3A_50 = arith.addf %dot_general3A_46, %add3A_49 : vector<512x128xf32>
    %get3A_51 = arith.constant 1 : index
    %get3A_52 = arith.constant 0 : index
    %get3A_53 = vector.load %arg9[%get3A_51, %get3A_52] : memref<3x128xf32, #tpu.memory_space<vmem>>, vector<1x128xf32>
    %mul3A_54 = vector.broadcast %get3A_53 : vector<1x128xf32> to vector<512x128xf32>
    %mul3A_55 = arith.mulf %mul3A_39, %mul3A_54 : vector<512x128xf32>
    %dot_general3A_56 = arith.constant dense<0.000000e+00> : vector<512x128xf32>
    %dot_general3A_57 = tpu.matmul %mul3A_55, %get3A_10, %dot_general3A_56 {dimension_numbers = #tpu.dot_dimension_numbers<[1], [0], [0], [1], [0, 0, 1, 1], [], []>, transpose_lhs_hint = false} : vector<512x128xf32>, vector<128x128xf32>, vector<512x128xf32> -> vector<512x128xf32>
    %get3A_58 = arith.constant 1 : index
    %get3A_59 = memref.load %arg10[%get3A_58] : memref<3xf32, #tpu.memory_space<smem>>
    %add3A_60 = vector.broadcast %get3A_59 : f32 to vector<512x128xf32>
    %add3A_61 = arith.addf %dot_general3A_57, %add3A_60 : vector<512x128xf32>
    %get3A_62 = arith.constant 2 : index
    %get3A_63 = arith.constant 0 : index
    %get3A_64 = vector.load %arg9[%get3A_62, %get3A_63] : memref<3x128xf32, #tpu.memory_space<vmem>>, vector<1x128xf32>
    %mul3A_65 = vector.broadcast %get3A_64 : vector<1x128xf32> to vector<512x128xf32>
    %mul3A_66 = arith.mulf %mul3A_39, %mul3A_65 : vector<512x128xf32>
    %dot_general3A_67 = arith.constant dense<0.000000e+00> : vector<512x128xf32>
    %dot_general3A_68 = tpu.matmul %mul3A_66, %get3A_10, %dot_general3A_67 {dimension_numbers = #tpu.dot_dimension_numbers<[1], [0], [0], [1], [0, 0, 1, 1], [], []>, transpose_lhs_hint = false} : vector<512x128xf32>, vector<128x128xf32>, vector<512x128xf32> -> vector<512x128xf32>
    %get3A_69 = arith.constant 2 : index
    %get3A_70 = memref.load %arg10[%get3A_69] : memref<3xf32, #tpu.memory_space<smem>>
    %add3A_71 = vector.broadcast %get3A_70 : f32 to vector<512x128xf32>
    %add3A_72 = arith.addf %dot_general3A_68, %add3A_71 : vector<512x128xf32>
    %max3A = arith.maximumf %add3A_50, %add3A_61 : vector<512x128xf32>
    %max3A_73 = arith.maximumf %max3A, %add3A_72 : vector<512x128xf32>
    %sub3A = arith.subf %add3A_50, %max3A_73 : vector<512x128xf32>
    %exp3A = math.exp %sub3A : vector<512x128xf32>
    %sub3A_74 = arith.subf %add3A_61, %max3A_73 : vector<512x128xf32>
    %exp3A_75 = math.exp %sub3A_74 : vector<512x128xf32>
    %sub3A_76 = arith.subf %add3A_72, %max3A_73 : vector<512x128xf32>
    %exp3A_77 = math.exp %sub3A_76 : vector<512x128xf32>
    %add3A_78 = arith.addf %exp3A, %exp3A_75 : vector<512x128xf32>
    %add3A_79 = arith.addf %add3A_78, %exp3A_77 : vector<512x128xf32>
    %div3A = arith.constant 1.000000e+00 : f32
    %div3A_80 = vector.broadcast %div3A : f32 to vector<512x128xf32>
    %div3A_81 = arith.divf %div3A_80, %add3A_79 : vector<512x128xf32>
    %mul3A_82 = arith.mulf %exp3A, %get3A_1 : vector<512x128xf32>
    %mul3A_83 = arith.mulf %exp3A_75, %get3A_4 : vector<512x128xf32>
    %add3A_84 = arith.addf %mul3A_82, %mul3A_83 : vector<512x128xf32>
    %mul3A_85 = arith.mulf %exp3A_77, %get3A_7 : vector<512x128xf32>
    %add3A_86 = arith.addf %add3A_84, %mul3A_85 : vector<512x128xf32>
    %mul3A_87 = arith.mulf %add3A_86, %div3A_81 : vector<512x128xf32>
    %dot_general3A_88 = arith.constant dense<0.000000e+00> : vector<512x128xf32>
    %dot_general3A_89 = tpu.matmul %mul3A_87, %get3A_10, %dot_general3A_88 {dimension_numbers = #tpu.dot_dimension_numbers<[1], [0], [0], [1], [0, 0, 1, 1], [], []>, transpose_lhs_hint = false} : vector<512x128xf32>, vector<128x128xf32>, vector<512x128xf32> -> vector<512x128xf32>
    %mul3A_90 = arith.constant 3.125000e-02 : f32
    %mul3A_91 = vector.broadcast %mul3A_90 : f32 to vector<512x128xf32>
    %mul3A_92 = arith.mulf %dot_general3A_89, %mul3A_91 : vector<512x128xf32>
    %sub3A_93 = arith.subf %mul3A_87, %mul3A_92 : vector<512x128xf32>
    %mul3A_94 = arith.mulf %sub3A_93, %sub3A_93 : vector<512x128xf32>
    %dot_general3A_95 = arith.constant dense<0.000000e+00> : vector<512x128xf32>
    %dot_general3A_96 = tpu.matmul %mul3A_94, %get3A_10, %dot_general3A_95 {dimension_numbers = #tpu.dot_dimension_numbers<[1], [0], [0], [1], [0, 0, 1, 1], [], []>, transpose_lhs_hint = false} : vector<512x128xf32>, vector<128x128xf32>, vector<512x128xf32> -> vector<512x128xf32>
    %mul3A_97 = arith.constant 3.125000e-02 : f32
    %mul3A_98 = vector.broadcast %mul3A_97 : f32 to vector<512x128xf32>
    %mul3A_99 = arith.mulf %dot_general3A_96, %mul3A_98 : vector<512x128xf32>
    %add3A_100 = arith.constant 9.99999974E-6 : f32
    %add3A_101 = vector.broadcast %add3A_100 : f32 to vector<512x128xf32>
    %add3A_102 = arith.addf %mul3A_99, %add3A_101 : vector<512x128xf32>
    %rsqrt3A = math.rsqrt %add3A_102 : vector<512x128xf32>
    %mul3A_103 = arith.mulf %sub3A_93, %rsqrt3A : vector<512x128xf32>
    %get3A_104 = arith.constant 0 : index
    %get3A_105 = arith.constant 0 : index
    %get3A_106 = vector.load %arg11[%get3A_104, %get3A_105] : memref<1x128xf32, #tpu.memory_space<vmem>>, vector<1x128xf32>
    %mul3A_107 = vector.broadcast %get3A_106 : vector<1x128xf32> to vector<512x128xf32>
    %mul3A_108 = arith.mulf %mul3A_103, %mul3A_107 : vector<512x128xf32>
    %get3A_109 = arith.constant 0 : index
    %get3A_110 = arith.constant 0 : index
    %get3A_111 = vector.load %arg12[%get3A_109, %get3A_110] : memref<1x128xf32, #tpu.memory_space<vmem>>, vector<1x128xf32>
    %add3A_112 = vector.broadcast %get3A_111 : vector<1x128xf32> to vector<512x128xf32>
    %add3A_113 = arith.addf %mul3A_108, %add3A_112 : vector<512x128xf32>
    %swap3A = arith.constant 0 : index
    %swap3A_114 = arith.constant 0 : index
    %swap3A_115 = vector.load %arg13[%swap3A, %swap3A_114] : memref<512x128xf32, #tpu.memory_space<vmem>>, vector<512x128xf32>
    tpu.vector_store %arg13[%swap3A, %swap3A_114], %add3A_113 {strides = array<i32>} : memref<512x128xf32, #tpu.memory_space<vmem>>, vector<512x128xf32>,
    return
  }
  func.func @transform_0(%arg0: i32) -> (i32, i32) {
    %c0_i32 = arith.constant 0 : i32
    %c0_i32_0 = arith.constant 0 : i32
    return %arg0, %c0_i32 : i32, i32
  }
  func.func @transform_1(%arg0: i32) -> (i32, i32) {
    %c0_i32 = arith.constant 0 : i32
    %c0_i32_0 = arith.constant 0 : i32
    return %arg0, %c0_i32 : i32, i32
  }
  func.func @transform_2(%arg0: i32) -> (i32, i32) {
    %c0_i32 = arith.constant 0 : i32
    %c0_i32_0 = arith.constant 0 : i32
    return %arg0, %c0_i32 : i32, i32
  }
  func.func @transform_3(%arg0: i32) -> (i32, i32) {
    %c0_i32 = arith.constant 0 : i32
    %c0_i32_0 = arith.constant 0 : i32
    %c0_i32_1 = arith.constant 0 : i32
    return %c0_i32, %c0_i32_0 : i32, i32
  }
  func.func @transform_4(%arg0: i32) -> (i32, i32) {
    %c0_i32 = arith.constant 0 : i32
    %c0_i32_0 = arith.constant 0 : i32
    %c0_i32_1 = arith.constant 0 : i32
    return %c0_i32, %c0_i32_0 : i32, i32
  }
  func.func @transform_5(%arg0: i32) -> (i32, i32) {
    %c0_i32 = arith.constant 0 : i32
    %c0_i32_0 = arith.constant 0 : i32
    %c0_i32_1 = arith.constant 0 : i32
    return %c0_i32, %c0_i32_0 : i32, i32
  }
  func.func @transform_6(%arg0: i32) -> (i32, i32) {
    %c0_i32 = arith.constant 0 : i32
    %c0_i32_0 = arith.constant 0 : i32
    %c0_i32_1 = arith.constant 0 : i32
    return %c0_i32, %c0_i32_0 : i32, i32
  }
  func.func @transform_7(%arg0: i32) -> (i32, i32) {
    %c0_i32 = arith.constant 0 : i32
    %c0_i32_0 = arith.constant 0 : i32
    %c0_i32_1 = arith.constant 0 : i32
    return %c0_i32, %c0_i32_0 : i32, i32
  }
  func.func @transform_8(%arg0: i32) -> (i32, i32) {
    %c0_i32 = arith.constant 0 : i32
    %c0_i32_0 = arith.constant 0 : i32
    %c0_i32_1 = arith.constant 0 : i32
    return %c0_i32, %c0_i32_0 : i32, i32
  }
  func.func @transform_9(%arg0: i32) -> i32 {
    %c0_i32 = arith.constant 0 : i32
    %c0_i32_0 = arith.constant 0 : i32
    return %c0_i32 : i32
  }
  func.func @transform_10(%arg0: i32) -> (i32, i32) {
    %c0_i32 = arith.constant 0 : i32
    %c0_i32_0 = arith.constant 0 : i32
    %c0_i32_1 = arith.constant 0 : i32
    return %c0_i32, %c0_i32_0 : i32, i32
  }
  func.func @transform_11(%arg0: i32) -> (i32, i32) {
    %c0_i32 = arith.constant 0 : i32
    %c0_i32_0 = arith.constant 0 : i32
    %c0_i32_1 = arith.constant 0 : i32
    return %c0_i32, %c0_i32_0 : i32, i32
  }
  func.func @transform_12(%arg0: i32) -> (i32, i32) {
    %c0_i32 = arith.constant 0 : i32
    %c0_i32_0 = arith.constant 0 : i32
    return %arg0, %c0_i32 : i32, i32
  }
}

</mosaic_0001>

<sc_bundles>
// kernel: kernel.4.cloned.1.call-start
scs
__scs_entry_jumppad:
0x0: {  	(pc) =	sbr.rel $0x88, $3  }
0x1: {  	(tag) =	ssettag $0x0;
	lr =	simm.s32 $0x1  }
0x2: {  	[smem:$0x3F95] =	sst lr;
	_ =	strace $0xD0000000  }
0x3: {  	_ = 	snop  }
0x4: {  	_ = 	snop  }
0x5: {  	_ = 	snop  }
0x6: {  	_ = 	snop  }
0x7: {  	_ = 	snop  }
__scs_overlays_trampoline_lowered:
0x8: {  	[smem:$0x3FA4] =	sst s0  }
0x9: {  	[smem:$0x3FA5] =	sst s1  }
0xa: {  	[smem:$0x3FA6] =	sst s2  }
0xb: {  	[smem:$0x3FA7] =	sst s3  }
0xc: {  	[smem:$0x3FA8] =	sst s4  }
0xd: {  	[smem:$0x3FA9] =	sst s5  }
0xe: {  	[smem:$0x3FAA] =	sst s6  }
0xf: {  	[smem:$0x3FAB] =	sst s7  }
0x10: {  	[smem:$0x3FAC] =	sst s8  }
0x11: {  	[smem:$0x3FAD] =	sst s9;
	s0 =	simm.s32 @!p0 $0x0  }
0x12: {  	s1 =	sld [smem:$0x3F93];
	s0 =	simm.s32 @p0 $0x1  }
0x13: {  	[smem:$0x3FAE] =	sst s0;
	s0 =	simm.s32 @!p1 $0x0  }
0x14: {  	s2 =	sld [smem:$0x3F92];
	s0 =	simm.s32 @p1 $0x1  }
0x15: {  	[smem:$0x3FAF] =	sst s0;
	s0 =	simm.s32 @!p2 $0x0  }
0x16: {  	s3 =	sld [smem:$0x3FDB];
	s0 =	simm.s32 @p2 $0x1  }
0x17: {  	s4 =	simm.s32 $0x1BF5;
	[smem:$0x3FB1] =	sst s0  }
0x18: {  	s0 =	sld [smem:$0x3F94];
	_ =	swait.ge [sflag:s4], $0x0  }
0x19: {  	s7 =	sld [smem:$0x3F95]  }
0x1a: {  	s8 =	sadd.s32 $0xFFFFE003, lr  }
0x1b: {  	s9 =	sadd.s32 $0xFFFFFEF7, lr;
	s5 =	simm.s32 $0xFFFFFFFF;
	p2 =	slt.u32 s8, $0xFFFFF086  }
0x1c: {  	p1 =	slt.u32 s9, $0xF7A;
	s5 =	simm.s32 @!p2 $0x0  }
0x1d: {  	s5 =	simm.s32 @p1 $0x1;
	p0 =	seq.s32 s7, s2  }
0x1e: {  	s7 =	smul.u32 @!p0 $0xF7A, s2;
	p2 =	seq.s32 @!p0 s5, $0x0  }
0x1f: {  	s9 =	smul.u32 $0xF7A, s1;
	s8 =	simm.s32 @!p0 $0x1BF5;
	p2 =	por !p2, p0  }
0x20: {  	[sflag:s8] =	ssyncset.s32 @!p0 $0xFFFFF086;
	s6 =	sadd.s32 @!p0 s3, s7;
	s7 =	simm.s32 @!p0 $0x108  }
0x21: {  	s3 =	sadd.s32 s3, s9;
	s6 =	sadd.s32 @!p0 $0x88, s6;
	s7 =	simm.s32 @p2 $0x1082  }
0x22: {  	[simem:s7], [sflag:s8] =	dma.local @!p0 [hbm:s6], $0xF7A  }
0x23: {  	s9 =	sor.u32 $0xD0000000, s2;
	s6 =	simm.s32 $0x108;
	_ =	swait.ge @!p0 [sflag:s8], $0x0  }
0x24: {  	s3 =	sadd.s32 $0x88, s3;
	s6 =	simm.s32 @!p1 $0x1082;
	[sflag:s4] =	ssyncset.s32 $0xFFFFF086  }
0x25: {  	[simem:s6], [sflag:s4] =	dma.local [hbm:s3], $0xF7A  }
0x26: {  	[smem:$0x3F95] =	sst s1;
	(tag) =	ssettag s2;
	_ =	strace s9  }
0x27: {  	s1 =	sld [smem:$0x3FA5]  }
0x28: {  	s2 =	sld [smem:$0x3FA6]  }
0x29: {  	s4 =	sld [smem:$0x3FA8]  }
0x2a: {  	p0 =	seq.s32 s5, $0x0;
	s5 =	sld [smem:$0x3FA9]  }
0x2b: {  	s6 =	sld [smem:$0x3FAA]  }
0x2c: {  	s7 =	sld [smem:$0x3FAB]  }
0x2d: {  	s3 =	simm.s32 $0x108;
	s8 =	sld [smem:$0x3FAC]  }
0x2e: {  	s3 =	simm.s32 @!p0 $0x1082;
	s9 =	sld [smem:$0x3FAD]  }
0x2f: {  	lr =	sadd.s32 s0, s3;
	s0 =	sld [smem:$0x3FA4]  }
0x30: {  	s3 =	sld [smem:$0x3FA7]  }
0x31: {  	[smem:$0x3FB0] =	sst s10  }
0x32: {  	s10 =	sld [smem:$0x3FAE];
	_ =	sdelay $0x3  }
0x33: {  	p0 =	seq.s32 s10, $0x1;
	s10 =	sld [smem:$0x3FB0];
	_ =	sdelay $0x3  }
0x34: {  	[smem:$0x3FB0] =	sst s10  }
0x35: {  	s10 =	sld [smem:$0x3FAF];
	_ =	sdelay $0x3  }
0x36: {  	p1 =	seq.s32 s10, $0x1;
	s10 =	sld [smem:$0x3FB0];
	_ =	sdelay $0x3  }
0x37: {  	[smem:$0x3FB0] =	sst s10  }
0x38: {  	s10 =	sld [smem:$0x3FB1]  }
0x39: {  	_ = 	snop;
	(pc) =	sbr.ind lr, $3  }
0x3a: {  	_ = 	snop  }
0x3b: {  	_ = 	snop  }
0x3c: {  	p2 =	seq.s32 s10, $0x1;
	s10 =	sld [smem:$0x3FB0]  }
0x3d: {  	_ =	shalt  }
0x3e: {  	_ =	shalt  }
0x3f: {  	_ =	shalt  }
0x40: {  	_ =	shalt  }
0x41: {  	_ =	shalt  }
0x42: {  	_ =	shalt  }
0x43: {  	_ =	shalt  }
0x44: {  	_ =	shalt  }
0x45: {  	_ =	shalt  }
0x46: {  	_ =	shalt  }
0x47: {  	_ =	shalt  }
0x48: {  	_ =	shalt  }
0x49: {  	_ =	shalt  }
0x4a: {  	_ =	shalt  }
0x4b: {  	_ =	shalt  }
0x4c: {  	_ =	shalt  }
0x4d: {  	_ =	shalt  }
0x4e: {  	_ =	shalt  }
0x4f: {  	_ =	shalt  }
0x50: {  	_ =	shalt  }
0x51: {  	_ =	shalt  }
0x52: {  	_ =	shalt  }
0x53: {  	_ =	shalt  }
0x54: {  	_ =	shalt  }
0x55: {  	_ =	shalt  }
0x56: {  	_ =	shalt  }
0x57: {  	_ =	shalt  }
0x58: {  	_ =	shalt  }
0x59: {  	_ =	shalt  }
0x5a: {  	_ =	shalt  }
0x5b: {  	_ =	shalt  }
0x5c: {  	_ =	shalt  }
0x5d: {  	_ =	shalt  }
0x5e: {  	_ =	shalt  }
0x5f: {  	_ =	shalt  }
0x60: {  	_ =	shalt  }
0x61: {  	_ =	shalt  }
0x62: {  	_ =	shalt  }
0x63: {  	_ =	shalt  }
0x64: {  	_ =	shalt  }
0x65: {  	_ =	shalt  }
0x66: {  	_ =	shalt  }
0x67: {  	_ =	shalt  }
0x68: {  	_ =	shalt  }
0x69: {  	_ =	shalt  }
0x6a: {  	_ =	shalt  }
0x6b: {  	_ =	shalt  }
0x6c: {  	_ =	shalt  }
0x6d: {  	_ =	shalt  }
0x6e: {  	_ =	shalt  }
0x6f: {  	_ =	shalt  }
0x70: {  	_ =	shalt  }
0x71: {  	_ =	shalt  }
0x72: {  	_ =	shalt  }
0x73: {  	_ =	shalt  }
0x74: {  	_ =	shalt  }
0x75: {  	_ =	shalt  }
0x76: {  	_ =	shalt  }
0x77: {  	_ =	shalt  }
0x78: {  	_ =	shalt  }
0x79: {  	_ =	shalt  }
0x7a: {  	_ =	shalt  }
0x7b: {  	_ =	shalt  }
0x7c: {  	_ =	shalt  }
0x7d: {  	_ =	shalt  }
0x7e: {  	_ =	shalt  }
0x7f: {  	_ =	shalt  }
0x80: {  	_ =	shalt  }
0x81: {  	_ =	shalt  }
0x82: {  	_ =	shalt  }
0x83: {  	_ =	shalt  }
0x84: {  	_ =	shalt  }
0x85: {  	_ =	shalt  }
0x86: {  	_ =	shalt  }
0x87: {  	_ =	shalt  }
.Lfunc_end0:
.L_simem_size_0:
called_computation_lowered:
.L_overlay_start_0:
0x88: {  	s2 =	sld [smem:$0x3FD9]  }
0x89: {  	s3 =	sld [smem:$0x3FFE];
	_ =	sdelay $0x1  }
0x8a: {  	s1 =	srdreg.scid  }
0x8b: {  	s0 =	sand.u32 $0x1, s1  }
0x8c: {  	s17 =	sshll.u32 s0, $0xA;
	s2 =	sadd.s32 s3, s2  }
0x8d: {  	s2 =	sadd.s32 s2, s17  }
0x8e: {  	[smem:$0x3FBC] =	sst s2  }
0x8f: {  	_ = 	snop  }
0x90: {  	s2 =	sld [smem:$0x3FD0];
	(tm) =	ssettm $0x1  }
0x91: {  	s18 =	sld [smem:$0x3FFB];
	_ =	sdelay $0x3  }
0x92: {  	_ =	strace s18  }
0x93: {  	s3 =	sld [smem:$0x3FFC];
	_ =	sdelay $0x3  }
0x94: {  	_ =	strace s3  }
0x95: {  	s3 =	sld [smem:$0x3FFD];
	_ =	sdelay $0x3  }
0x96: {  	_ =	strace s3  }
0x97: {  	_ =	strace $0x8FFFFFFF  }
0x98: {  	s19 =	sld [smem:$0x3FDB];
	_ =	sdelay $0x1  }
0x99: {  	s4 =	simm.s32 $_scs_section_size  }
0x9a: {  	s5 =	simm.s32 $_size__tile_overlayer_lowered;
	s6 =	simm.s32 $_tile_overlayer_lowered  }
0x9b: {  	s22 =	simm.s32 $0x1BFF;
	s21 =	sshll.u32 s6, $0x1;
	s3 =	sadd.s32 s4, s19  }
0x9c: {  	s7 =	simm.s32 $0x0;
	s20 =	sshll.u32 s5, $0x1;
	s5 =	sadd.s32 s21, s3  }
0x9d: {  	[timem:s7], [sflag:s22] =	dma.local [hbm:s5], s20  }
0x9e: {  	_ =	swait.ge [sflag:s22], s20  }
0x9f: {  	s4 =	ssub.s32 $0x0, s20;
	[sflag:s22] =	ssyncset.done $0x0  }
0xa0: {  	[sflag:s22] =	ssyncadd.s32 s4;
	_ =	sdelay $0x1  }
0xa1: {  	s23 =	simm.s32 $0x1B8B  }
0xa2: {  	_ =	swait.ge [sflag:s23], $0x1  }
0xa3: {  	[sflag:s23] =	ssyncset.done $0x0  }
0xa4: {  	s25 =	simm.s32 $0x1B8E;
	s24 =	sld [smem:$0x3FFE];
	[sflag:s23] =	ssyncadd.s32 $0xFFFFFFFF  }
0xa5: {  	s26 =	simm.s32 $execute0_lowered;
	[smem:$0x3FD2] =	sst s25  }
0xa6: {  	s5 =	sshll.u32 s26, $0x1;
	_ =	strace $0x80000046;
	[dreg:$0x1] =	wrdreg $0xFFFFFFFF  }
0xa7: {  	s28 =	simm.s32 $_size_execute0_lowered;
	s3 =	sadd.s32 s3, s5;
	[dreg:$0x0] =	wrdreg $0x0  }
0xa8: {  	s5 =	sshll.u32 s28, $0x1;
	[dreg:$0x2] =	wrdreg s3  }
0xa9: {  	[dreg:$0x3] =	wrdreg s5  }
0xaa: {  	[dreg:$0x4] =	wrdreg $0xC0  }
0xab: {  	_ =	task [dreg:s7], $0x5FFFF  }
0xac: {  	[dreg:$0x1] =	wrdreg $0xFFFFFFFF  }
0xad: {  	[dreg:$0x0] =	wrdreg $0x60  }
0xae: {  	[dreg:$0x2] =	wrdreg s24  }
0xaf: {  	[dreg:$0x3] =	wrdreg s2  }
0xb0: {  	[dreg:$0x4] =	wrdreg $0x9  }
0xb1: {  	_ =	task.clear_ibuf [dreg:s7], $0x5FFFF;
	_ =	strace $0x90000046  }
0xb2: {  	s29 =	simm.s32 $0x9;
	_ =	strace $0x80000048  }
0xb3: {  	_ =	swait.ge [sflag:s29], $0x1  }
0xb4: {  	[sflag:s29] =	ssyncadd.s32 $0xFFFFFFFF  }
0xb5: {  	_ =	strace $0x90000048  }
0xb6: {  	_ =	sfence  }
0xb7: {  	s30 =	sld [smem:$0x0];
	_ =	sdelay $0x2  }
0xb8: {  	s31 =	sshll.u32 s1, $0xD;
	s1 =	sshrl.u32 s1, $0x2  }
0xb9: {  	s3 =	sand.u32 $0x4000, s31;
	s1 =	sadd.s32 s1, s30  }
0xba: {  	s0 =	sor.u32 s3, s0;
	s1 =	sshll.u32 s1, $0x11  }
0xbb: {  	s0 =	sor.u32 s1, s0  }
0xbc: {  	s0 =	sadd.s32 $0x8F2B, s0  }
0xbd: {  	[sflag:s0] =	ssyncadd.remote.s32 $0x1  }
0xbe: {  	_ =	sfence.sel $0xFFFF  }
0xbf: {  	[dreg:$0x0] =	wrdreg $0xFFFFFFFF;
	(pc) =	sbr.abs _section_cstart, $3  }
0xc0: {  	[dreg:$0x1] =	wrdreg $0xFFFFFFFF  }
0xc1: {  	_ =	task.clear_ibuf [dreg:s7], $0x2FFFF;
	_ =	strace $0x9FFFFFFF  }
0xc2: {  	(tm) =	ssettm $0x7FFFFFFF  }
0xc3: {  	_ =	shalt  }
tec
execute0_lowered:
.L_overlay_start_1:
0x0: {  	(tag) =	ssettag $0x1  }
0x1: {  	s1 =	rddreg [dreg:$0x0]  }
0x2: {  	s3 =	rddreg [dreg:$0x1];
	s6 =	simm.s32 $0x0  }
0x3: {  	s16 =	simm.s32 $0x1660;
	[smem:$0x7FF] =	sst s6  }
0x4: {  	s17 =	simm.s32 $0x388;
	_ =	strace $0x80000047;
	[dreg:$0x6] =	wrdreg s16  }
0x5: {  	s18 =	simm.s32 $0x7A60;
	[dreg:$0x7] =	wrdreg s17  }
0x6: {  	s19 =	simm.s32 $0x6A8;
	[dreg:$0x8] =	wrdreg s18  }
0x7: {  	s20 =	simm.s32 $0xDE60;
	[dreg:$0x9] =	wrdreg s19  }
0x8: {  	s21 =	simm.s32 $0xC8;
	[dreg:$0xa] =	wrdreg s20  }
0x9: {  	s22 =	simm.s32 $0x2260;
	[dreg:$0xb] =	wrdreg s21  }
0xa: {  	s23 =	simm.s32 $0x3E8;
	[dreg:$0xc] =	wrdreg s22  }
0xb: {  	s24 =	simm.s32 $0x8660;
	[dreg:$0xd] =	wrdreg s23  }
0xc: {  	s25 =	simm.s32 $0x708;
	[dreg:$0xe] =	wrdreg s24  }
0xd: {  	s26 =	simm.s32 $0xEA60;
	[dreg:$0xf] =	wrdreg s25  }
0xe: {  	s28 =	simm.s32 $0x130;
	[dreg:$0x10] =	wrdreg s26  }
0xf: {  	s29 =	simm.s32 $0x2F60;
	[dreg:$0x11] =	wrdreg s28  }
0x10: {  	s30 =	simm.s32 $0x450;
	[dreg:$0x12] =	wrdreg s29  }
0x11: {  	s7 =	simm.s32 $0x9360;
	[dreg:$0x13] =	wrdreg s30  }
0x12: {  	s8 =	simm.s32 $0x770;
	[dreg:$0x14] =	wrdreg s7  }
0x13: {  	s9 =	simm.s32 $0xF760;
	[dreg:$0x15] =	wrdreg s8  }
0x14: {  	s11 =	simm.s32 $0x190;
	[dreg:$0x16] =	wrdreg s9  }
0x15: {  	s2 =	stileid.u32;
	s12 =	simm.s32 $0x3B60;
	[dreg:$0x17] =	wrdreg s11  }
0x16: {  	s0 =	srdreg.scid;
	s13 =	simm.s32 $0x4B0;
	[dreg:$0x18] =	wrdreg s12  }
0x17: {  	s14 =	simm.s32 $0x9F60;
	s4 =	smul.u32 $0x640, s2;
	[dreg:$0x19] =	wrdreg s13  }
0x18: {  	s0 =	sand.u32 $0x1, s0;
	[dreg:$0x1a] =	wrdreg s14;
	s16 =	simm.s32 $0x7D0  }
0x19: {  	s2 =	smul.u32 $0xC800, s2;
	s17 =	simm.s32 $0x10360;
	[dreg:$0x1b] =	wrdreg s16  }
0x1a: {  	s31 =	sadd.s32 $0xF44400, s1;
	s19 =	simm.s32 $0x1F8;
	[dreg:$0x1c] =	wrdreg s17  }
0x1b: {  	s5 =	smul.u32 $0x320, s0;
	s21 =	simm.s32 $0x4860;
	[dreg:$0x1d] =	wrdreg s19  }
0x1c: {  	s10 =	ssub.s32 $0x2, s0;
	s22 =	simm.s32 $0x518;
	[dreg:$0x1e] =	wrdreg s21  }
0x1d: {  	s0 =	smul.u32 $0x6400, s0;
	s23 =	simm.s32 $0xAC60;
	[dreg:$0x1f] =	wrdreg s22  }
0x1e: {  	s24 =	simm.s32 $0x838;
	s11 =	simm.s32 $0x640;
	[smem:$0x7F7] =	sst s23  }
0x1f: {  	s25 =	simm.s32 $0x11060;
	s13 =	simm.s32 $0x68;
	[smem:$0x7F8] =	sst s24  }
0x20: {  	s26 =	simm.s32 $0x258;
	s28 =	simm.s32 $0x5460;
	[smem:$0x7F9] =	sst s25  }
0x21: {  	s29 =	simm.s32 $0x578;
	s30 =	simm.s32 $0xB860;
	[smem:$0x7FA] =	sst s26  }
0x22: {  	s12 =	simm.s32 $0x60;
	s14 =	simm.s32 $0x898;
	[smem:$0x7FB] =	sst s28  }
0x23: {  	s4 =	sadd.s32 s4, s1;
	s8 =	sshrl.u32 s10, $0x1;
	[smem:$0x7FC] =	sst s29  }
0x24: {  	s17 =	simm.s32 $0xD160;
	[smem:$0x7FD] =	sst s30;
	s16 =	simm.s32 $0x2C0  }
0x25: {  	s19 =	simm.s32 $0x6160;
	s21 =	simm.s32 $0xC560;
	s4 =	sadd.s32 s5, s4  }
0x26: {  	s22 =	simm.s32 $0x900;
	s7 =	ssub.s32 s10, s8;
	s5 =	sadd.s32 $0xE800, s4  }
0x27: {  	s15 =	sadd.s32 $0x8400, s4;
	s4 =	sadd.s32 $0x2000, s4;
	[dreg:$0x3] =	wrdreg s5  }
0x28: {  	[dreg:$0x5] =	wrdreg s4;
	s4 =	sadd.s32 $0x1314E00, s1;
	s1 =	sadd.s32 s2, s1  }
0x29: {  	[dreg:$0x4] =	wrdreg s15;
	s15 =	smax.u32 s7, $0x1;
	s0 =	sadd.s32 s0, s1  }
0x2a: {  	s23 =	simm.s32 $0x12960;
	[smem:$0x7F3] =	sst s15;
	s18 =	sadd.s32 $0x14C00, s0  }
0x2b: {  	s26 =	simm.s32 $0x1;
	s20 =	sadd.s32 $0xDCC00, s0;
	[smem:$0x7F4] =	sst s18  }
0x2c: {  	s15 =	simm.s32 $0x11C60;
	s0 =	sadd.s32 $0x1A4C00, s0;
	[smem:$0x7F5] =	sst s20  }
0x2d: {  	s1 =	simm.s32 $0x0;
	[smem:$0x7F6] =	sst s0;
	s20 =	simm.s32 $0x5E0  }
.LBB2_1:
0x2e: {  	[smem:$0x7F2] =	sst s1  }
0x2f: {  	s0 =	rddreg [dreg:$0x3]  }
0x30: {  	s2 =	simm.s32 $0x0;
	s5 =	simm.s32 $0x2;
	s0 =	sadd.s32 $0x0, s0  }
0x31: {  	[tilespmem:s2], [sflag:$0x2] =	stream.linear.gather [hbm4b:s0+s2], $0x320, $0x38;
	[tilespmem:$0x13560] =	vst v63  }
0x32: {  	_ =	swait.ge [sflag:s5], $0x320  }
0x33: {  	s24 =	rddreg [dreg:$0x4];
	[sflag:s5] =	ssyncset.done $0x0  }
0x34: {  	s9 =	simm.s32 $0x320;
	[sflag:s5] =	ssyncadd.s32 $0xFFFFFCE0;
	s0 =	sadd.s32 $0x0, s24  }
0x35: {  	[tilespmem:s9], [sflag:$0x2] =	stream.linear.gather [hbm4b:s0+s2], $0x320, $0x38;
	[tilespmem:$0x13560] =	vst v63  }
0x36: {  	_ =	swait.ge [sflag:s5], $0x320  }
0x37: {  	s25 =	rddreg [dreg:$0x5];
	[sflag:s5] =	ssyncset.done $0x0  }
0x38: {  	[sflag:s5] =	ssyncadd.s32 $0xFFFFFCE0;
	s0 =	sadd.s32 $0x0, s25  }
0x39: {  	[tilespmem:s11], [sflag:$0x2] =	stream.linear.gather [hbm4b:s0+s2], $0x320, $0x38;
	[tilespmem:$0x13560] =	vst v63  }
0x3a: {  	_ =	swait.ge [sflag:s5], $0x320  }
0x3b: {  	s0 =	sld [smem:$0x7FD]  }
0x3c: {  	s1 =	sld [smem:$0x7FB]  }
0x3d: {  	s6 =	sld [smem:$0x7F9]  }
0x3e: {  	s7 =	rddreg [dreg:$0x8]  }
0x3f: {  	s28 =	rddreg [dreg:$0xa]  }
0x40: {  	s18 =	rddreg [dreg:$0x7]  }
0x41: {  	s10 =	rddreg [dreg:$0xc]  }
0x42: {  	s24 =	rddreg [dreg:$0xd]  }
0x43: {  	[sflag:s5] =	ssyncset.done $0x0;
	s25 =	rddreg [dreg:$0x10]  }
0x44: {  	s8 =	simm.s32 $0x960;
	[sflag:s5] =	ssyncadd.s32 $0xFFFFFCE0;
	s5 =	rddreg [dreg:$0x9]  }
0x45: {  	[tilespmem:s8], [sflag:$0x1] =	stream.indirect.gather [hbm4b:s3+s13], $0x20, s2, s13, $0xb8;
	[tilespmem:$0x13560] =	vst v63  }
0x46: {  	s29 =	simm.s32 $0x6D60;
	s2 =	rddreg [dreg:$0x6]  }
0x47: {  	[tilespmem:s29], [sflag:$0x1] =	stream.indirect.gather [hbm4b:s4+s13], $0x20, s9, s13, $0xb8;
	[tilespmem:$0x13560] =	vst v63  }
0x48: {  	s29 =	rddreg [dreg:$0x12]  }
0x49: {  	s9 =	rddreg [dreg:$0x1e]  }
0x4a: {  	[tilespmem:s17], [sflag:$0x1] =	stream.indirect.gather [hbm4b:s31+s13], $0x20, s11, s13, $0xb8;
	[tilespmem:$0x13560] =	vst v63  }
0x4b: {  	s11 =	rddreg [dreg:$0xb]  }
0x4c: {  	[tilespmem:s2], [sflag:$0x1] =	stream.indirect.gather [hbm4b:s3+s12], $0x20, s13, s12, $0xb8;
	[tilespmem:$0x13560] =	vst v63  }
0x4d: {  	s17 =	rddreg [dreg:$0xe]  }
0x4e: {  	[tilespmem:s7], [sflag:$0x1] =	stream.indirect.gather [hbm4b:s4+s12], $0x20, s18, s12, $0xb8;
	[tilespmem:$0x13560] =	vst v63  }
0x4f: {  	s2 =	rddreg [dreg:$0x11]  }
0x50: {  	[tilespmem:s28], [sflag:$0x1] =	stream.indirect.gather [hbm4b:s31+s12], $0x20, s5, s12, $0xb8;
	[tilespmem:$0x13560] =	vst v63  }
0x51: {  	s28 =	rddreg [dreg:$0xf]  }
0x52: {  	s5 =	rddreg [dreg:$0x14]  }
0x53: {  	[tilespmem:s10], [sflag:$0x1] =	stream.indirect.gather [hbm4b:s3+s13], $0x20, s11, s13, $0xb8;
	[tilespmem:$0x13560] =	vst v63  }
0x54: {  	s10 =	rddreg [dreg:$0x13]  }
0x55: {  	s11 =	rddreg [dreg:$0x16]  }
0x56: {  	[tilespmem:s17], [sflag:$0x1] =	stream.indirect.gather [hbm4b:s4+s13], $0x20, s24, s13, $0xb8;
	[tilespmem:$0x13560] =	vst v63  }
0x57: {  	s17 =	rddreg [dreg:$0x15]  }
0x58: {  	s24 =	rddreg [dreg:$0x18]  }
0x59: {  	[tilespmem:s25], [sflag:$0x1] =	stream.indirect.gather [hbm4b:s31+s13], $0x20, s28, s13, $0xb8;
	[tilespmem:$0x13560] =	vst v63  }
0x5a: {  	s25 =	rddreg [dreg:$0x17]  }
0x5b: {  	s28 =	rddreg [dreg:$0x1a]  }
0x5c: {  	[tilespmem:s29], [sflag:$0x1] =	stream.indirect.gather [hbm4b:s3+s12], $0x20, s2, s12, $0xb8;
	[tilespmem:$0x13560] =	vst v63  }
0x5d: {  	s29 =	rddreg [dreg:$0x19]  }
0x5e: {  	[tilespmem:s5], [sflag:$0x1] =	stream.indirect.gather [hbm4b:s4+s12], $0x20, s10, s12, $0xb8;
	[tilespmem:$0x13560] =	vst v63  }
0x5f: {  	s2 =	rddreg [dreg:$0x1c]  }
0x60: {  	[tilespmem:s11], [sflag:$0x1] =	stream.indirect.gather [hbm4b:s31+s12], $0x20, s17, s12, $0xb8;
	[tilespmem:$0x13560] =	vst v63  }
0x61: {  	s5 =	rddreg [dreg:$0x1b]  }
0x62: {  	[tilespmem:s24], [sflag:$0x1] =	stream.indirect.gather [hbm4b:s3+s13], $0x20, s25, s13, $0xb8;
	[tilespmem:$0x13560] =	vst v63  }
0x63: {  	s10 =	rddreg [dreg:$0x1d]  }
0x64: {  	[tilespmem:s28], [sflag:$0x1] =	stream.indirect.gather [hbm4b:s4+s13], $0x20, s29, s13, $0xb8;
	[tilespmem:$0x13560] =	vst v63  }
0x65: {  	s11 =	sld [smem:$0x7F7]  }
0x66: {  	[tilespmem:s2], [sflag:$0x1] =	stream.indirect.gather [hbm4b:s31+s13], $0x20, s5, s13, $0xb8;
	[tilespmem:$0x13560] =	vst v63  }
0x67: {  	s17 =	rddreg [dreg:$0x1f]  }
0x68: {  	[tilespmem:s9], [sflag:$0x1] =	stream.indirect.gather [hbm4b:s3+s12], $0x20, s10, s12, $0xb8;
	[tilespmem:$0x13560] =	vst v63  }
0x69: {  	s24 =	sld [smem:$0x7F8]  }
0x6a: {  	[tilespmem:s11], [sflag:$0x1] =	stream.indirect.gather [hbm4b:s4+s12], $0x20, s17, s12, $0xb8;
	[tilespmem:$0x13560] =	vst v63  }
0x6b: {  	s25 =	sld [smem:$0x7FA]  }
0x6c: {  	[tilespmem:s6], [sflag:$0x1] =	stream.indirect.gather [hbm4b:s31+s12], $0x20, s24, s12, $0xb8;
	[tilespmem:$0x13560] =	vst v63  }
0x6d: {  	s28 =	sld [smem:$0x7FC]  }
0x6e: {  	[tilespmem:s1], [sflag:$0x1] =	stream.indirect.gather [hbm4b:s3+s13], $0x20, s25, s13, $0xb8;
	[tilespmem:$0x13560] =	vst v63  }
0x6f: {  	_ = 	snop  }
0x70: {  	[tilespmem:s0], [sflag:$0x1] =	stream.indirect.gather [hbm4b:s4+s13], $0x20, s28, s13, $0xb8;
	[tilespmem:$0x13560] =	vst v63  }
0x71: {  	_ = 	snop  }
0x72: {  	[tilespmem:s15], [sflag:$0x1] =	stream.indirect.gather [hbm4b:s31+s13], $0x20, s14, s13, $0xb8;
	[tilespmem:$0x13560] =	vst v63  }
0x73: {  	_ = 	snop  }
0x74: {  	[tilespmem:s19], [sflag:$0x1] =	stream.indirect.gather [hbm4b:s3+s12], $0x20, s16, s12, $0xb8;
	[tilespmem:$0x13560] =	vst v63  }
0x75: {  	_ = 	snop  }
0x76: {  	[tilespmem:s21], [sflag:$0x1] =	stream.indirect.gather [hbm4b:s4+s12], $0x20, s20, s12, $0xb8;
	[tilespmem:$0x13560] =	vst v63  }
0x77: {  	_ = 	snop  }
0x78: {  	[tilespmem:s23], [sflag:$0x1] =	stream.indirect.gather [hbm4b:s31+s12], $0x20, s22, s12, $0xb8;
	[tilespmem:$0x13560] =	vst v63  }
0x79: {  	_ =	swait.ge [sflag:s26], $0xD00  }
0x7a: {  	[sflag:s26] =	ssyncset.done $0x0  }
0x7b: {  	[sflag:s26] =	ssyncadd.s32 $0xFFFFF300  }
0x7c: {  	_ =	swait.ge [sflag:s26], $0xD00  }
0x7d: {  	[sflag:s26] =	ssyncset.done $0x0  }
0x7e: {  	[sflag:s26] =	ssyncadd.s32 $0xFFFFF300  }
0x7f: {  	_ =	swait.ge [sflag:s26], $0xD00  }
0x80: {  	[sflag:s26] =	ssyncset.done $0x0  }
0x81: {  	[sflag:s26] =	ssyncadd.s32 $0xFFFFF300  }
0x82: {  	_ =	swait.ge [sflag:s26], $0xC00  }
0x83: {  	[sflag:s26] =	ssyncset.done $0x0  }
0x84: {  	[sflag:s26] =	ssyncadd.s32 $0xFFFFF400  }
0x85: {  	_ =	swait.ge [sflag:s26], $0xC00  }
0x86: {  	[sflag:s26] =	ssyncset.done $0x0  }
0x87: {  	[sflag:s26] =	ssyncadd.s32 $0xFFFFF400  }
0x88: {  	_ =	swait.ge [sflag:s26], $0xC00  }
0x89: {  	[sflag:s26] =	ssyncset.done $0x0  }
0x8a: {  	[sflag:s26] =	ssyncadd.s32 $0xFFFFF400  }
0x8b: {  	_ =	swait.ge [sflag:s26], $0xD00  }
0x8c: {  	[sflag:s26] =	ssyncset.done $0x0  }
0x8d: {  	[sflag:s26] =	ssyncadd.s32 $0xFFFFF300  }
0x8e: {  	_ =	swait.ge [sflag:s26], $0xD00  }
0x8f: {  	[sflag:s26] =	ssyncset.done $0x0  }
0x90: {  	[sflag:s26] =	ssyncadd.s32 $0xFFFFF300  }
0x91: {  	_ =	swait.ge [sflag:s26], $0xD00  }
0x92: {  	[sflag:s26] =	ssyncset.done $0x0  }
0x93: {  	[sflag:s26] =	ssyncadd.s32 $0xFFFFF300  }
0x94: {  	_ =	swait.ge [sflag:s26], $0xC00  }
0x95: {  	[sflag:s26] =	ssyncset.done $0x0  }
0x96: {  	[sflag:s26] =	ssyncadd.s32 $0xFFFFF400  }
0x97: {  	_ =	swait.ge [sflag:s26], $0xC00  }
0x98: {  	[sflag:s26] =	ssyncset.done $0x0  }
0x99: {  	[sflag:s26] =	ssyncadd.s32 $0xFFFFF400  }
0x9a: {  	_ =	swait.ge [sflag:s26], $0xC00  }
0x9b: {  	[sflag:s26] =	ssyncset.done $0x0  }
0x9c: {  	[sflag:s26] =	ssyncadd.s32 $0xFFFFF400  }
0x9d: {  	_ =	swait.ge [sflag:s26], $0xD00  }
0x9e: {  	[sflag:s26] =	ssyncset.done $0x0  }
0x9f: {  	[sflag:s26] =	ssyncadd.s32 $0xFFFFF300  }
0xa0: {  	_ =	swait.ge [sflag:s26], $0xD00  }
0xa1: {  	[sflag:s26] =	ssyncset.done $0x0  }
0xa2: {  	[sflag:s26] =	ssyncadd.s32 $0xFFFFF300  }
0xa3: {  	_ =	swait.ge [sflag:s26], $0xD00  }
0xa4: {  	[sflag:s26] =	ssyncset.done $0x0  }
0xa5: {  	[sflag:s26] =	ssyncadd.s32 $0xFFFFF300  }
0xa6: {  	_ =	swait.ge [sflag:s26], $0xC00  }
0xa7: {  	[sflag:s26] =	ssyncset.done $0x0  }
0xa8: {  	[sflag:s26] =	ssyncadd.s32 $0xFFFFF400  }
0xa9: {  	_ =	swait.ge [sflag:s26], $0xC00  }
0xaa: {  	[sflag:s26] =	ssyncset.done $0x0  }
0xab: {  	[sflag:s26] =	ssyncadd.s32 $0xFFFFF400  }
0xac: {  	_ =	swait.ge [sflag:s26], $0xC00  }
0xad: {  	[sflag:s26] =	ssyncset.done $0x0  }
0xae: {  	[sflag:s26] =	ssyncadd.s32 $0xFFFFF400  }
0xaf: {  	_ =	swait.ge [sflag:s26], $0xD00  }
0xb0: {  	[sflag:s26] =	ssyncset.done $0x0  }
0xb1: {  	[sflag:s26] =	ssyncadd.s32 $0xFFFFF300  }
0xb2: {  	_ =	swait.ge [sflag:s26], $0xD00  }
0xb3: {  	[sflag:s26] =	ssyncset.done $0x0  }
0xb4: {  	[sflag:s26] =	ssyncadd.s32 $0xFFFFF300  }
0xb5: {  	_ =	swait.ge [sflag:s26], $0xD00  }
0xb6: {  	[sflag:s26] =	ssyncset.done $0x0  }
0xb7: {  	[sflag:s26] =	ssyncadd.s32 $0xFFFFF300  }
0xb8: {  	_ =	swait.ge [sflag:s26], $0xC00  }
0xb9: {  	[sflag:s26] =	ssyncset.done $0x0  }
0xba: {  	[sflag:s26] =	ssyncadd.s32 $0xFFFFF400  }
0xbb: {  	_ =	swait.ge [sflag:s26], $0xC00  }
0xbc: {  	[sflag:s26] =	ssyncset.done $0x0  }
0xbd: {  	[sflag:s26] =	ssyncadd.s32 $0xFFFFF400  }
0xbe: {  	_ =	swait.ge [sflag:s26], $0xC00  }
0xbf: {  	s9 =	sld [smem:$0x7F6]  }
0xc0: {  	s29 =	sld [smem:$0x7F4]  }
0xc1: {  	s5 =	smov.u32 s4;
	s4 =	sld [smem:$0x7F5];
	_ =	sdelay $0x1  }
0xc2: {  	s30 =	simm.s32 $0x64;
	s13 =	simm.s32 $0x68;
	s1 =	sadd.s32 $0xC80, s9  }
0xc3: {  	s7 =	smov.u32 s29;
	s8 =	smov.u32 s4;
	s10 =	smov.u32 s29  }
.LBB2_2:
0xc4: {  	[sflag:s26] =	ssyncset.done $0x0;
	s2 =	simm.s32 $0x0  }
0xc5: {  	s16 =	simm.s32 $0x960;
	s11 =	simm.s32 $0x2;
	[sflag:s26] =	ssyncadd.s32 $0xFFFFF400  }
0xc6: {  	[hbm4b:s10+s2] =	stream.linear.scatter [tilespmem:s16], [sflag:$0x2], $0x6400, $0x38;
	[tilespmem:$0x13560] =	vst v63  }
0xc7: {  	_ =	swait.ge [sflag:s11], $0x6400  }
0xc8: {  	[sflag:s11] =	ssyncset.done $0x0  }
0xc9: {  	s29 =	simm.s32 $0x6D60;
	[sflag:s11] =	ssyncadd.s32 $0xFFFF9C00  }
0xca: {  	[hbm4b:s4+s2] =	stream.linear.scatter [tilespmem:s29], [sflag:$0x2], $0x6400, $0x38;
	[tilespmem:$0x13560] =	vst v63  }
0xcb: {  	_ =	swait.ge [sflag:s11], $0x6400  }
0xcc: {  	[sflag:s11] =	ssyncset.done $0x0  }
0xcd: {  	s23 =	simm.s32 $0xD160;
	[sflag:s11] =	ssyncadd.s32 $0xFFFF9C00  }
0xce: {  	[hbm4b:s9+s2] =	stream.linear.scatter [tilespmem:s23], [sflag:$0x2], $0x6400, $0x38;
	[tilespmem:$0x13560] =	vst v63  }
0xcf: {  	s6 =	smov.u32 s30;
	_ =	swait.ge [sflag:s11], $0x6400  }
0xd0: {  	s24 =	smov.u32 s1;
	s25 =	rddreg [dreg:$0x3];
	[sflag:s11] =	ssyncset.done $0x0  }
0xd1: {  	[smem:$0x7F1] =	sst s24;
	[sflag:s11] =	ssyncadd.s32 $0xFFFF9C00;
	s9 =	sadd.s32 s6, s25  }
0xd2: {  	[tilespmem:s2], [sflag:$0x2] =	stream.linear.gather [hbm4b:s9+s2], $0x320, $0x38;
	[tilespmem:$0x13560] =	vst v63  }
0xd3: {  	_ =	swait.ge [sflag:s11], $0x320  }
0xd4: {  	s28 =	rddreg [dreg:$0x4];
	[sflag:s11] =	ssyncset.done $0x0  }
0xd5: {  	s17 =	simm.s32 $0x320;
	[sflag:s11] =	ssyncadd.s32 $0xFFFFFCE0;
	s9 =	sadd.s32 s6, s28  }
0xd6: {  	[tilespmem:s17], [sflag:$0x2] =	stream.linear.gather [hbm4b:s9+s2], $0x320, $0x38;
	[tilespmem:$0x13560] =	vst v63  }
0xd7: {  	_ =	swait.ge [sflag:s11], $0x320  }
0xd8: {  	s4 =	rddreg [dreg:$0x5];
	[sflag:s11] =	ssyncset.done $0x0  }
0xd9: {  	[sflag:s11] =	ssyncadd.s32 $0xFFFFFCE0;
	s6 =	sadd.s32 s6, s4;
	s4 =	simm.s32 $0x640  }
0xda: {  	[tilespmem:s4], [sflag:$0x2] =	stream.linear.gather [hbm4b:s6+s2], $0x320, $0x38;
	[tilespmem:$0x13560] =	vst v63  }
0xdb: {  	_ =	swait.ge [sflag:s11], $0x320  }
0xdc: {  	s6 =	sld [smem:$0x7FD]  }
0xdd: {  	s9 =	sld [smem:$0x7FB]  }
0xde: {  	s28 =	sld [smem:$0x7F9]  }
0xdf: {  	s18 =	sld [smem:$0x7F7]  }
0xe0: {  	s19 =	rddreg [dreg:$0x1e]  }
0xe1: {  	s20 =	rddreg [dreg:$0x1c]  }
0xe2: {  	s21 =	rddreg [dreg:$0x1a]  }
0xe3: {  	s22 =	rddreg [dreg:$0x18]  }
0xe4: {  	s23 =	rddreg [dreg:$0x16]  }
0xe5: {  	s24 =	rddreg [dreg:$0x14]  }
0xe6: {  	s25 =	rddreg [dreg:$0x12]  }
0xe7: {  	s12 =	rddreg [dreg:$0x8]  }
0xe8: {  	[sflag:s11] =	ssyncset.done $0x0;
	s14 =	rddreg [dreg:$0xa]  }
0xe9: {  	s15 =	rddreg [dreg:$0xc];
	[sflag:s11] =	ssyncadd.s32 $0xFFFFFCE0  }
0xea: {  	[tilespmem:s16], [sflag:$0x1] =	stream.indirect.gather [hbm4b:s3+s13], $0x20, s2, s13, $0xb8;
	[tilespmem:$0x13560] =	vst v63  }
0xeb: {  	s7 =	sadd.s32 $0xC80, s7;
	s8 =	sadd.s32 $0xC80, s8;
	s11 =	rddreg [dreg:$0x10]  }
0xec: {  	[tilespmem:s29], [sflag:$0x1] =	stream.indirect.gather [hbm4b:s5+s13], $0x20, s17, s13, $0xb8;
	[tilespmem:$0x13560] =	vst v63  }
0xed: {  	s10 =	smov.u32 s8;
	s16 =	rddreg [dreg:$0xe];
	s2 =	simm.s32 $0xD160  }
0xee: {  	[tilespmem:s2], [sflag:$0x1] =	stream.indirect.gather [hbm4b:s31+s13], $0x20, s4, s13, $0xb8;
	[tilespmem:$0x13560] =	vst v63  }
0xef: {  	s0 =	smov.u32 s7;
	s29 =	rddreg [dreg:$0x6];
	s4 =	smov.u32 s10  }
0xf0: {  	s10 =	smov.u32 s0;
	s2 =	rddreg [dreg:$0x7];
	s0 =	simm.s32 $0x60  }
0xf1: {  	[tilespmem:s29], [sflag:$0x1] =	stream.indirect.gather [hbm4b:s3+s0], $0x20, s13, s0, $0xb8;
	[tilespmem:$0x13560] =	vst v63  }
0xf2: {  	s29 =	rddreg [dreg:$0x9]  }
0xf3: {  	[tilespmem:s12], [sflag:$0x1] =	stream.indirect.gather [hbm4b:s5+s0], $0x20, s2, s0, $0xb8;
	[tilespmem:$0x13560] =	vst v63  }
0xf4: {  	s12 =	rddreg [dreg:$0xb]  }
0xf5: {  	[tilespmem:s14], [sflag:$0x1] =	stream.indirect.gather [hbm4b:s31+s0], $0x20, s29, s0, $0xb8;
	[tilespmem:$0x13560] =	vst v63  }
0xf6: {  	s2 =	rddreg [dreg:$0xf]  }
0xf7: {  	[tilespmem:s15], [sflag:$0x1] =	stream.indirect.gather [hbm4b:s3+s13], $0x20, s12, s13, $0xb8;
	[tilespmem:$0x13560] =	vst v63  }
0xf8: {  	s29 =	rddreg [dreg:$0xd]  }
0xf9: {  	[tilespmem:s16], [sflag:$0x1] =	stream.indirect.gather [hbm4b:s5+s13], $0x20, s29, s13, $0xb8;
	[tilespmem:$0x13560] =	vst v63  }
0xfa: {  	s12 =	rddreg [dreg:$0x17]  }
0xfb: {  	[tilespmem:s11], [sflag:$0x1] =	stream.indirect.gather [hbm4b:s31+s13], $0x20, s2, s13, $0xb8;
	[tilespmem:$0x13560] =	vst v63  }
0xfc: {  	s29 =	rddreg [dreg:$0x11]  }
0xfd: {  	[tilespmem:s25], [sflag:$0x1] =	stream.indirect.gather [hbm4b:s3+s0], $0x20, s29, s0, $0xb8;
	[tilespmem:$0x13560] =	vst v63  }
0xfe: {  	s11 =	rddreg [dreg:$0x13]  }
0xff: {  	[tilespmem:s24], [sflag:$0x1] =	stream.indirect.gather [hbm4b:s5+s0], $0x20, s11, s0, $0xb8;
	[tilespmem:$0x13560] =	vst v63  }
0x100: {  	s29 =	rddreg [dreg:$0x15]  }
0x101: {  	[tilespmem:s23], [sflag:$0x1] =	stream.indirect.gather [hbm4b:s31+s0], $0x20, s29, s0, $0xb8;
	[tilespmem:$0x13560] =	vst v63  }
0x102: {  	s25 =	rddreg [dreg:$0x1b]  }
0x103: {  	[tilespmem:s22], [sflag:$0x1] =	stream.indirect.gather [hbm4b:s3+s13], $0x20, s12, s13, $0xb8;
	[tilespmem:$0x13560] =	vst v63  }
0x104: {  	s24 =	rddreg [dreg:$0x19]  }
0x105: {  	[tilespmem:s21], [sflag:$0x1] =	stream.indirect.gather [hbm4b:s5+s13], $0x20, s24, s13, $0xb8;
	[tilespmem:$0x13560] =	vst v63  }
0x106: {  	s29 =	rddreg [dreg:$0x1d]  }
0x107: {  	[tilespmem:s20], [sflag:$0x1] =	stream.indirect.gather [hbm4b:s31+s13], $0x20, s25, s13, $0xb8;
	[tilespmem:$0x13560] =	vst v63  }
0x108: {  	s12 =	rddreg [dreg:$0x1f]  }
0x109: {  	[tilespmem:s19], [sflag:$0x1] =	stream.indirect.gather [hbm4b:s3+s0], $0x20, s29, s0, $0xb8;
	[tilespmem:$0x13560] =	vst v63  }
0x10a: {  	s24 =	sld [smem:$0x7F8]  }
0x10b: {  	[tilespmem:s18], [sflag:$0x1] =	stream.indirect.gather [hbm4b:s5+s0], $0x20, s12, s0, $0xb8;
	[tilespmem:$0x13560] =	vst v63  }
0x10c: {  	s25 =	sld [smem:$0x7FA]  }
0x10d: {  	[tilespmem:s28], [sflag:$0x1] =	stream.indirect.gather [hbm4b:s31+s0], $0x20, s24, s0, $0xb8;
	[tilespmem:$0x13560] =	vst v63  }
0x10e: {  	s29 =	sld [smem:$0x7FC]  }
0x10f: {  	[tilespmem:s9], [sflag:$0x1] =	stream.indirect.gather [hbm4b:s3+s13], $0x20, s25, s13, $0xb8;
	[tilespmem:$0x13560] =	vst v63  }
0x110: {  	_ = 	snop  }
0x111: {  	[tilespmem:s6], [sflag:$0x1] =	stream.indirect.gather [hbm4b:s5+s13], $0x20, s29, s13, $0xb8;
	[tilespmem:$0x13560] =	vst v63  }
0x112: {  	s14 =	simm.s32 $0x898;
	s15 =	simm.s32 $0x11C60  }
0x113: {  	[tilespmem:s15], [sflag:$0x1] =	stream.indirect.gather [hbm4b:s31+s13], $0x20, s14, s13, $0xb8;
	[tilespmem:$0x13560] =	vst v63  }
0x114: {  	s16 =	simm.s32 $0x2C0;
	s19 =	simm.s32 $0x6160  }
0x115: {  	[tilespmem:s19], [sflag:$0x1] =	stream.indirect.gather [hbm4b:s3+s0], $0x20, s16, s0, $0xb8;
	[tilespmem:$0x13560] =	vst v63  }
0x116: {  	s21 =	simm.s32 $0xC560;
	s20 =	simm.s32 $0x5E0  }
0x117: {  	[tilespmem:s21], [sflag:$0x1] =	stream.indirect.gather [hbm4b:s5+s0], $0x20, s20, s0, $0xb8;
	[tilespmem:$0x13560] =	vst v63  }
0x118: {  	s23 =	simm.s32 $0x12960;
	s22 =	simm.s32 $0x900  }
0x119: {  	[tilespmem:s23], [sflag:$0x1] =	stream.indirect.gather [hbm4b:s31+s0], $0x20, s22, s0, $0xb8;
	[tilespmem:$0x13560] =	vst v63  }
0x11a: {  	s9 =	sld [smem:$0x7F1];
	_ =	swait.ge [sflag:s26], $0xD00  }
0x11b: {  	[sflag:s26] =	ssyncset.done $0x0  }
0x11c: {  	[sflag:s26] =	ssyncadd.s32 $0xFFFFF300  }
0x11d: {  	_ =	swait.ge [sflag:s26], $0xD00  }
0x11e: {  	[sflag:s26] =	ssyncset.done $0x0  }
0x11f: {  	[sflag:s26] =	ssyncadd.s32 $0xFFFFF300  }
0x120: {  	_ =	swait.ge [sflag:s26], $0xD00  }
0x121: {  	[sflag:s26] =	ssyncset.done $0x0  }
0x122: {  	[sflag:s26] =	ssyncadd.s32 $0xFFFFF300  }
0x123: {  	_ =	swait.ge [sflag:s26], $0xC00  }
0x124: {  	[sflag:s26] =	ssyncset.done $0x0  }
0x125: {  	[sflag:s26] =	ssyncadd.s32 $0xFFFFF400  }
0x126: {  	_ =	swait.ge [sflag:s26], $0xC00  }
0x127: {  	[sflag:s26] =	ssyncset.done $0x0  }
0x128: {  	[sflag:s26] =	ssyncadd.s32 $0xFFFFF400  }
0x129: {  	_ =	swait.ge [sflag:s26], $0xC00  }
0x12a: {  	[sflag:s26] =	ssyncset.done $0x0  }
0x12b: {  	[sflag:s26] =	ssyncadd.s32 $0xFFFFF400  }
0x12c: {  	_ =	swait.ge [sflag:s26], $0xD00  }
0x12d: {  	[sflag:s26] =	ssyncset.done $0x0  }
0x12e: {  	[sflag:s26] =	ssyncadd.s32 $0xFFFFF300  }
0x12f: {  	_ =	swait.ge [sflag:s26], $0xD00  }
0x130: {  	[sflag:s26] =	ssyncset.done $0x0  }
0x131: {  	[sflag:s26] =	ssyncadd.s32 $0xFFFFF300  }
0x132: {  	_ =	swait.ge [sflag:s26], $0xD00  }
0x133: {  	[sflag:s26] =	ssyncset.done $0x0  }
0x134: {  	[sflag:s26] =	ssyncadd.s32 $0xFFFFF300  }
0x135: {  	_ =	swait.ge [sflag:s26], $0xC00  }
0x136: {  	[sflag:s26] =	ssyncset.done $0x0  }
0x137: {  	[sflag:s26] =	ssyncadd.s32 $0xFFFFF400  }
0x138: {  	_ =	swait.ge [sflag:s26], $0xC00  }
0x139: {  	[sflag:s26] =	ssyncset.done $0x0  }
0x13a: {  	[sflag:s26] =	ssyncadd.s32 $0xFFFFF400  }
0x13b: {  	_ =	swait.ge [sflag:s26], $0xC00  }
0x13c: {  	[sflag:s26] =	ssyncset.done $0x0  }
0x13d: {  	[sflag:s26] =	ssyncadd.s32 $0xFFFFF400  }
0x13e: {  	_ =	swait.ge [sflag:s26], $0xD00  }
0x13f: {  	[sflag:s26] =	ssyncset.done $0x0  }
0x140: {  	[sflag:s26] =	ssyncadd.s32 $0xFFFFF300  }
0x141: {  	_ =	swait.ge [sflag:s26], $0xD00  }
0x142: {  	[sflag:s26] =	ssyncset.done $0x0  }
0x143: {  	[sflag:s26] =	ssyncadd.s32 $0xFFFFF300  }
0x144: {  	_ =	swait.ge [sflag:s26], $0xD00  }
0x145: {  	[sflag:s26] =	ssyncset.done $0x0  }
0x146: {  	[sflag:s26] =	ssyncadd.s32 $0xFFFFF300  }
0x147: {  	_ =	swait.ge [sflag:s26], $0xC00  }
0x148: {  	[sflag:s26] =	ssyncset.done $0x0  }
0x149: {  	[sflag:s26] =	ssyncadd.s32 $0xFFFFF400  }
0x14a: {  	_ =	swait.ge [sflag:s26], $0xC00  }
0x14b: {  	[sflag:s26] =	ssyncset.done $0x0  }
0x14c: {  	[sflag:s26] =	ssyncadd.s32 $0xFFFFF400  }
0x14d: {  	_ =	swait.ge [sflag:s26], $0xC00  }
0x14e: {  	[sflag:s26] =	ssyncset.done $0x0  }
0x14f: {  	[sflag:s26] =	ssyncadd.s32 $0xFFFFF400  }
0x150: {  	_ =	swait.ge [sflag:s26], $0xD00  }
0x151: {  	[sflag:s26] =	ssyncset.done $0x0  }
0x152: {  	[sflag:s26] =	ssyncadd.s32 $0xFFFFF300  }
0x153: {  	_ =	swait.ge [sflag:s26], $0xD00  }
0x154: {  	[sflag:s26] =	ssyncset.done $0x0  }
0x155: {  	[sflag:s26] =	ssyncadd.s32 $0xFFFFF300  }
0x156: {  	_ =	swait.ge [sflag:s26], $0xD00  }
0x157: {  	[sflag:s26] =	ssyncset.done $0x0  }
0x158: {  	[sflag:s26] =	ssyncadd.s32 $0xFFFFF300  }
0x159: {  	_ =	swait.ge [sflag:s26], $0xC00  }
0x15a: {  	p0 =	sne.s32 s30, $0x2BC;
	[sflag:s26] =	ssyncset.done $0x0  }
.Ltmp0:
0x15b: {  	[sflag:s26] =	ssyncadd.s32 $0xFFFFF400;
	(pc) =	sbr.rel @p0 .LBB2_2-.Ltmp0, $4  }
0x15c: {  	_ =	swait.ge [sflag:s26], $0xC00  }
0x15d: {  	[sflag:s26] =	ssyncset.done $0x0  }
0x15e: {  	s30 =	sadd.s32 $0x64, s30;
	[sflag:s26] =	ssyncadd.s32 $0xFFFFF400  }
0x15f: {  	s1 =	sadd.s32 $0xC80, s1;
	s17 =	simm.s32 $0xD160;
	_ =	swait.ge [sflag:s26], $0xC00  }
0x160: {  	[sflag:s26] =	ssyncset.done $0x0;
	s1 =	simm.s32 $0x0  }
0x161: {  	s2 =	simm.s32 $0x960;
	s28 =	simm.s32 $0x2;
	[sflag:s26] =	ssyncadd.s32 $0xFFFFF400  }
0x162: {  	[hbm4b:s10+s1] =	stream.linear.scatter [tilespmem:s2], [sflag:$0x2], $0x6400, $0x38;
	[tilespmem:$0x13560] =	vst v63  }
0x163: {  	_ =	swait.ge [sflag:s28], $0x6400  }
0x164: {  	[sflag:s28] =	ssyncset.done $0x0  }
0x165: {  	s0 =	simm.s32 $0x6D60;
	[sflag:s28] =	ssyncadd.s32 $0xFFFF9C00  }
0x166: {  	[hbm4b:s4+s1] =	stream.linear.scatter [tilespmem:s0], [sflag:$0x2], $0x6400, $0x38;
	[tilespmem:$0x13560] =	vst v63  }
0x167: {  	_ =	swait.ge [sflag:s28], $0x6400  }
0x168: {  	[sflag:s28] =	ssyncset.done $0x0  }
0x169: {  	[sflag:s28] =	ssyncadd.s32 $0xFFFF9C00  }
0x16a: {  	[hbm4b:s9+s1] =	stream.linear.scatter [tilespmem:s17], [sflag:$0x2], $0x6400, $0x38;
	[tilespmem:$0x13560] =	vst v63  }
0x16b: {  	_ =	swait.ge [sflag:s28], $0x6400  }
0x16c: {  	s29 =	sld [smem:$0x7F2]  }
0x16d: {  	s30 =	sld [smem:$0x7F3];
	_ =	sdelay $0x1  }
0x16e: {  	s1 =	sadd.s32 $0x1, s29  }
0x16f: {  	p0 =	sne.s32 s1, s30  }
.Ltmp1:
0x170: {  	_ = 	snop;
	(pc) =	sbr.rel @p0 .LBB2_1-.Ltmp1, $3  }
0x171: {  	_ =	sdelay $0x1  }
0x172: {  	s11 =	simm.s32 $0x640;
	s12 =	simm.s32 $0x60;
	[sflag:s28] =	ssyncset.done $0x0  }
0x173: {  	s13 =	simm.s32 $0x68;
	s4 =	smov.u32 s5;
	[sflag:s28] =	ssyncadd.s32 $0xFFFF9C00  }
0x174: {  	_ =	sfence.sel $0x180000  }
0x175: {  	[bflag:$0x0] =	sbarrier.arrive $0xFFFF  }
0x176: {  	_ =	strace $0x90000047  }
0x177: {  	s0 =	stileid.u32;
	[bflag:$0x2] =	sbarrier.arrive $0xFFFF  }
0x178: {  	p0 =	sne.s32 s0, $0x0;
	s0 =	rddreg [dreg:$0x2]  }
0x179: {  	s0 =	sadd.s32 @!p0 $0x100000, s0  }
0x17a: {  	[sflag:s0] =	ssyncadd.tile.s32 @!p0 $0x1;
	_ =	shalt  }
.Lfunc_end2:
_tile_overlayer_lowered:
.L_overlay_start_2:
0x17b: {  	(tag) =	ssettag $0x2  }
0x17c: {  	s0 =	rddreg [dreg:$0x0];
	s2 =	stileid.u32  }
0x17d: {  	s1 =	rddreg [dreg:$0x1];
	p0 =	sne.s32 s2, $0x0  }
0x17e: {  	s3 =	rddreg [dreg:$0x2];
	[bflag:$0x3] =	sbarrier.arrive $0xFFFF;
	s2 =	simm.s32 @!p0 $0x1C02  }
0x17f: {  	[timem:s3], [sflag:s2] =	dma.local @!p0 [hbm:s0], s1  }
0x180: {  	s0 =	simm.s32 @!p0 $0x2  }
0x181: {  	_ =	swait.ge @!p0 [sflag:s0], s1  }
0x182: {  	s1 =	ssub.s32 @!p0 $0x0, s1;
	[sflag:s0] =	ssyncset.done @!p0 $0x0  }
0x183: {  	[sflag:s0] =	ssyncadd.s32 @!p0 s1  }
0x184: {  	[bflag:$0x3] =	sbarrier.arrive $0xFFFF  }
0x185: {  	_ =	shalt  }

</sc_bundles>
